<compile_context>
chip_gen: v7x
topology: tpu7x:2x2x1
jax: 0.10.2.dev20260603
libtpu: 0.0.44.dev20260713+nightly
codegen_flags: <defaults>
</compile_context>

<pallas_src>
import functools
import math

import jax
import jax.numpy as jnp
import numpy as np
from jax import lax
from jax.experimental import pallas as pl
from jax.experimental.pallas import tpu as pltpu
from jax.experimental.pallas import tpu_sc as plsc

_VOCAB = 50268
_DIM = 384
_MAXLEN = 1024
_PAD = 50257
_SCALE = math.sqrt(_DIM)
_BATCH = 64

_NW = 32
_PPW = _MAXLEN // _NW
_LANES = 16
_NSL = _DIM // _LANES


def _build_pe() -> np.ndarray:
    position = np.arange(_MAXLEN, dtype=np.float64)[:, None]
    div_term = np.exp(
        np.arange(0, _DIM, 2, dtype=np.float64) * (-math.log(10000.0) / _DIM)
    )
    pe = np.zeros((_MAXLEN, _DIM), dtype=np.float32)
    pe[:, 0::2] = np.sin(position * div_term)
    pe[:, 1::2] = np.cos(position * div_term)
    return pe


_PE_DIV = _build_pe() / np.float32(_SCALE)

_mesh = plsc.VectorSubcoreMesh(core_axis_name="c", subcore_axis_name="s")


@functools.partial(
    pl.kernel,
    out_type=jax.ShapeDtypeStruct((_BATCH, _MAXLEN, _DIM), jnp.float32),
    mesh=_mesh,
    scratch_types=[
        pltpu.VMEM((_PPW, _DIM), jnp.float32),
        pltpu.VMEM((_PPW, _BATCH), jnp.int32),
        pltpu.VMEM((_PPW * _BATCH + _LANES,), jnp.float32),
        pltpu.VMEM((3, _BATCH, _DIM), jnp.float32),
        pltpu.SemaphoreType.DMA,
        pltpu.SemaphoreType.DMA,
        pltpu.SemaphoreType.DMA,
    ],
)
def _emb_kernel(ids_hbm, table_hbm, pe_hbm, out_hbm,
                pe_v, idx_v, msk_v, rows_v, gsem, ssem0, ssem1):
    wid = lax.axis_index("s") * 2 + lax.axis_index("c")
    pbase = wid * _PPW
    pltpu.sync_copy(ids_hbm.at[pl.ds(pbase, _PPW)], idx_v)
    pltpu.async_copy(table_hbm.at[idx_v.at[0]], rows_v.at[0], gsem)
    pltpu.sync_copy(pe_hbm.at[pl.ds(pbase, _PPW)], pe_v)

    msk_v[pl.ds(_PPW * _BATCH, _LANES)] = jnp.zeros((_LANES,), jnp.float32)

    def mask_row(r, c):
        for c4 in range(_BATCH // _LANES):
            ids16 = idx_v[r, pl.ds(c4 * _LANES, _LANES)]
            msk_v[pl.ds(r * _BATCH + c4 * _LANES, _LANES)] = jnp.where(
                ids16 != _PAD, jnp.float32(_SCALE), jnp.float32(0.0)
            )
        return c

    lax.fori_loop(0, _PPW, mask_row, 0)

    def position(t, carry):
        p = lax.rem(t, 3)
        pn = lax.rem(t + 1, 3)
        pltpu.make_async_copy(
            table_hbm.at[idx_v.at[t]], rows_v.at[p], gsem
        ).wait()

        @pl.when(t >= 2)
        def _():
            @pl.when(lax.rem(t, 2) == 0)
            def _():
                pltpu.make_async_copy(
                    rows_v.at[pn], out_hbm.at[:, pbase + t - 2, :], ssem0
                ).wait()

            @pl.when(lax.rem(t, 2) == 1)
            def _():
                pltpu.make_async_copy(
                    rows_v.at[pn], out_hbm.at[:, pbase + t - 2, :], ssem1
                ).wait()

        @pl.when(t + 1 < _PPW)
        def _():
            pltpu.async_copy(table_hbm.at[idx_v.at[t + 1]], rows_v.at[pn], gsem)

        pe_regs = [pe_v[t, pl.ds(j * _LANES, _LANES)] for j in range(_NSL)]

        def token(b, c):
            m = jnp.full(
                (_LANES,), msk_v[pl.ds(t * _BATCH + b, _LANES)][0], jnp.float32
            )
            for j in range(_NSL):
                sl = pl.ds(j * _LANES, _LANES)
                rows_v[p, b, sl] = (rows_v[p, b, sl] + pe_regs[j]) * m
            return c

        lax.fori_loop(0, _BATCH, token, 0)

        @pl.when(lax.rem(t, 2) == 0)
        def _():
            pltpu.async_copy(rows_v.at[p], out_hbm.at[:, pbase + t, :], ssem0)

        @pl.when(lax.rem(t, 2) == 1)
        def _():
            pltpu.async_copy(rows_v.at[p], out_hbm.at[:, pbase + t, :], ssem1)

        return carry

    lax.fori_loop(0, _PPW, position, 0)
    pltpu.make_async_copy(
        rows_v.at[0], out_hbm.at[:, pbase + _PPW - 2, :], ssem0
    ).wait()
    pltpu.make_async_copy(
        rows_v.at[0], out_hbm.at[:, pbase + _PPW - 1, :], ssem1
    ).wait()


def kernel(input_ids, table):
    bsz, seq = input_ids.shape
    ids_t = jnp.transpose(input_ids.astype(jnp.int32))
    pe = jnp.asarray(_PE_DIV)
    return _emb_kernel(ids_t, table, pe)

# --- scband reference (transcript-rebuilt; emitter-appended) ---
"""Pipeline reference for scband-conversational-embedding-32650341384397 (READ-ONLY COPY).

The authoritative reference and input builder live on the scoring server;
editing this copy changes nothing except your own understanding.
"""

import jax, jax.numpy as jnp
import numpy as np
import math

VOCAB = 50268
DIM = 384
MAXLEN = 1024
PAD = 50257
SCALE = math.sqrt(DIM)


def _make_pe():
    position = np.arange(MAXLEN, dtype=np.float64)[:, None]
    div_term = np.exp(np.arange(0, DIM, 2, dtype=np.float64) * (-math.log(10000.0) / DIM))
    pe = np.zeros((MAXLEN, DIM), dtype=np.float32)
    pe[:, 0::2] = np.sin(position * div_term)
    pe[:, 1::2] = np.cos(position * div_term)
    return jnp.asarray(pe[None])  # [1, MAXLEN, DIM]


def setup_inputs(seed: int = 0) -> dict:
    key = jax.random.key(seed)
    k1, k2 = jax.random.split(key)
    input_ids = jax.random.randint(k1, (64, 1024), 0, VOCAB, dtype=jnp.int64 if jax.config.jax_enable_x64 else jnp.int32)
    table = jax.random.normal(k2, (VOCAB, DIM), dtype=jnp.float32) * 0.02
    return {"input_ids": input_ids, "table": table}


def reference(input_ids, table):
    seq_len = input_ids.shape[1]
    pe = _make_pe()
    tok = jnp.take(table, input_ids, axis=0) * SCALE          # embedding gather + scale
    emb = tok + pe[:, :seq_len, :]                            # sinusoidal positional add
    mask = (input_ids != PAD)[..., None].astype(emb.dtype)    # zero-out pad positions
    emb = emb * mask
    # dropout is identity in eval mode
    return emb

if __name__ == "__main__":
    import jax
    _d = setup_inputs()
    print(jax.jit(kernel)(*tuple(_d.values())))

</pallas_src>

<mosaic_0001>
#map = affine_map<(d0, d1) -> (0, 0)>
#map1 = affine_map<(d0, d1) -> (0, 0, 0)>
module attributes {stable_mosaic.version = 14 : i64} {
  func.func @_emb_kernel(%arg0: i32, %arg1: i32, %arg2: memref<1024x64xi32, #tpu.memory_space<hbm>>, %arg3: memref<50268x384xf32, #tpu.memory_space<hbm>>, %arg4: memref<1024x384xf32, #tpu.memory_space<hbm>>, %arg5: memref<64x1024x384xf32, #tpu.memory_space<hbm>>, %arg6: memref<32x384xf32, #tpu.memory_space<vmem>>, %arg7: memref<32x64xi32, #tpu.memory_space<vmem>>, %arg8: memref<2064xf32, #tpu.memory_space<vmem>>, %arg9: memref<3x64x384xf32, #tpu.memory_space<vmem>>, %arg10: memref<!tpu.dma_semaphore, #tpu.memory_space<semaphore_mem>>, %arg11: memref<!tpu.dma_semaphore, #tpu.memory_space<semaphore_mem>>, %arg12: memref<!tpu.dma_semaphore, #tpu.memory_space<semaphore_mem>>) attributes {dimension_semantics = [#tpu.dimension_semantics<core_parallel>, #tpu.dimension_semantics<subcore_parallel>], iteration_bounds = array<i64: 2, 16>, scalar_prefetch = 0 : i64, scratch_operands = 7 : i64, tpu.core_type = #tpu.core_type<sc_vector_subcore>, window_params = [{transform_indices = #map}, {transform_indices = #map}, {transform_indices = #map}, {transform_indices = #map1}]} {
    %mul3A = arith.constant 2 : i32
    %mul3A_0 = arith.muli %arg1, %mul3A : i32
    %add3A = arith.addi %mul3A_0, %arg0 : i32
    %mul3A_1 = arith.constant 32 : i32
    %mul3A_2 = arith.muli %add3A, %mul3A_1 : i32
    "tpu.region"() ({
      %run_scoped3A = tpu.sem_alloc : memref<!tpu.dma_semaphore, #tpu.memory_space<semaphore_mem>>
      %dma_start3A_69 = arith.constant 0 : i32
      %dma_start3A_70 = tpu.memref_slice %arg2[%mul3A_2, %dma_start3A_69] : memref<1024x64xi32, #tpu.memory_space<hbm>> -> memref<32x64xi32, #tpu.memory_space<hbm>>
      %dma_start3A_71 = arith.constant 0 : i32
      %dma_start3A_72 = tpu.memref_slice %arg2[%mul3A_2, %dma_start3A_71] : memref<1024x64xi32, #tpu.memory_space<hbm>> -> memref<32x64xi32, #tpu.memory_space<hbm>>
      tpu.enqueue_dma source(%dma_start3A_72 : memref<32x64xi32, #tpu.memory_space<hbm>>) target(%arg7 : memref<32x64xi32, #tpu.memory_space<vmem>>) target_semaphore(%run_scoped3A : memref<!tpu.dma_semaphore, #tpu.memory_space<semaphore_mem>>)
      %dma_wait3A_73 = arith.constant 0 : i32
      %dma_wait3A_74 = tpu.memref_slice %arg2[%mul3A_2, %dma_wait3A_73] : memref<1024x64xi32, #tpu.memory_space<hbm>> -> memref<32x64xi32, #tpu.memory_space<hbm>>
      %dma_wait3A_75 = arith.constant 0 : i32
      %dma_wait3A_76 = tpu.memref_slice %arg2[%mul3A_2, %dma_wait3A_75] : memref<1024x64xi32, #tpu.memory_space<hbm>> -> memref<32x64xi32, #tpu.memory_space<hbm>>
      tpu.wait_dma2 semaphore(%run_scoped3A : memref<!tpu.dma_semaphore, #tpu.memory_space<semaphore_mem>>) src(%dma_wait3A_76 : memref<32x64xi32, #tpu.memory_space<hbm>>) dst(%arg7 : memref<32x64xi32, #tpu.memory_space<vmem>>)
      tpu.yield
    }) : () -> ()
    %dma_start3A = arith.constant 0 : i32
    %dma_start3A_3 = arith.constant 0 : i32
    %dma_start3A_4 = arith.constant 0 : i32
    %dma_start3A_5 = arith.constant 0 : i32
    %dma_start3A_6 = tpu.memref_slice %arg9[%dma_start3A_3, %dma_start3A_4, %dma_start3A_5] : memref<3x64x384xf32, #tpu.memory_space<vmem>> -> memref<1x64x384xf32, #tpu.memory_space<vmem>>
    %dma_start3A_7 = tpu.memref_squeeze %dma_start3A_6 : memref<1x64x384xf32, #tpu.memory_space<vmem>> -> memref<64x384xf32, #tpu.memory_space<vmem>>
    %dma_start3A_8 = arith.constant 0 : i32
    %dma_start3A_9 = tpu.memref_slice %arg7[%dma_start3A, %dma_start3A_8] : memref<32x64xi32, #tpu.memory_space<vmem>> -> memref<1x64xi32, #tpu.memory_space<vmem>>
    %dma_start3A_10 = tpu.memref_squeeze %dma_start3A_9 : memref<1x64xi32, #tpu.memory_space<vmem>> -> memref<64xi32, #tpu.memory_space<vmem>>
    %dma_start3A_11 = arith.constant 0 : i32
    %dma_start3A_12 = arith.constant 0 : i32
    %dma_start3A_13 = tpu.memref_slice %arg3[%dma_start3A_11, %dma_start3A_12] : memref<50268x384xf32, #tpu.memory_space<hbm>> -> memref<50268x384xf32, #tpu.memory_space<hbm>>
    tpu.enqueue_indirect_dma source(%dma_start3A_13 : memref<50268x384xf32, #tpu.memory_space<hbm>>) target(%dma_start3A_7 : memref<64x384xf32, #tpu.memory_space<vmem>>) offsets(%dma_start3A_10 : memref<64xi32, #tpu.memory_space<vmem>>) semaphore(%arg10 : memref<!tpu.dma_semaphore, #tpu.memory_space<semaphore_mem>>)
    "tpu.region"() ({
      %run_scoped3A = tpu.sem_alloc : memref<!tpu.dma_semaphore, #tpu.memory_space<semaphore_mem>>
      %dma_start3A_69 = arith.constant 0 : i32
      %dma_start3A_70 = tpu.memref_slice %arg4[%mul3A_2, %dma_start3A_69] : memref<1024x384xf32, #tpu.memory_space<hbm>> -> memref<32x384xf32, #tpu.memory_space<hbm>>
      %dma_start3A_71 = arith.constant 0 : i32
      %dma_start3A_72 = tpu.memref_slice %arg4[%mul3A_2, %dma_start3A_71] : memref<1024x384xf32, #tpu.memory_space<hbm>> -> memref<32x384xf32, #tpu.memory_space<hbm>>
      tpu.enqueue_dma source(%dma_start3A_72 : memref<32x384xf32, #tpu.memory_space<hbm>>) target(%arg6 : memref<32x384xf32, #tpu.memory_space<vmem>>) target_semaphore(%run_scoped3A : memref<!tpu.dma_semaphore, #tpu.memory_space<semaphore_mem>>)
      %dma_wait3A_73 = arith.constant 0 : i32
      %dma_wait3A_74 = tpu.memref_slice %arg4[%mul3A_2, %dma_wait3A_73] : memref<1024x384xf32, #tpu.memory_space<hbm>> -> memref<32x384xf32, #tpu.memory_space<hbm>>
      %dma_wait3A_75 = arith.constant 0 : i32
      %dma_wait3A_76 = tpu.memref_slice %arg4[%mul3A_2, %dma_wait3A_75] : memref<1024x384xf32, #tpu.memory_space<hbm>> -> memref<32x384xf32, #tpu.memory_space<hbm>>
      tpu.wait_dma2 semaphore(%run_scoped3A : memref<!tpu.dma_semaphore, #tpu.memory_space<semaphore_mem>>) src(%dma_wait3A_76 : memref<32x384xf32, #tpu.memory_space<hbm>>) dst(%arg6 : memref<32x384xf32, #tpu.memory_space<vmem>>)
      tpu.yield
    }) : () -> ()
    %broadcast_in_dim3A = arith.constant 0.000000e+00 : f32
    %broadcast_in_dim3A_14 = vector.broadcast %broadcast_in_dim3A : f32 to vector<16xf32>
    %swap3A = arith.constant 2048 : index
    %swap3A_15 = tpu.vector_load %arg8[%swap3A] {strides = array<i32>} : memref<2064xf32, #tpu.memory_space<vmem>>, vector<16xf32>,
    %swap3A_16 = vector.shape_cast %swap3A_15 : vector<16xf32> to vector<16xf32>
    %swap3A_17 = vector.shape_cast %broadcast_in_dim3A_14 : vector<16xf32> to vector<16xf32>
    tpu.vector_store %arg8[%swap3A], %swap3A_17 {strides = array<i32>} : memref<2064xf32, #tpu.memory_space<vmem>>, vector<16xf32>,
    %scan3A = arith.constant 0 : i32
    %scan3A_18 = arith.constant 0 : i32
    %scan3A_19 = arith.constant 32 : i32
    %scan3A_20 = arith.addi %scan3A_18, %scan3A_19 : i32
    %scan3A_21 = arith.constant 1 : i32
    scf.for %scan3A_69 = %scan3A_18 to %scan3A_20 step %scan3A_21  : i32 {
      %get3A = arith.index_cast %scan3A_69 : i32 to index
      %get3A_70 = arith.constant 0 : index
      %get3A_71 = tpu.vector_load %arg7[%get3A, %get3A_70] {strides = array<i32>} : memref<32x64xi32, #tpu.memory_space<vmem>>, vector<1x16xi32>,
      %get3A_72 = vector.shape_cast %get3A_71 : vector<1x16xi32> to vector<16xi32>
      %ne3A = arith.constant 50257 : i32
      %ne3A_73 = vector.broadcast %ne3A : i32 to vector<16xi32>
      %ne3A_74 = arith.cmpi ne, %get3A_72, %ne3A_73 : vector<16xi32>
      %jit3A = arith.constant 19.5959187 : f32
      %jit3A_75 = arith.constant 0.000000e+00 : f32
      %broadcast_in_dim3A_76 = vector.broadcast %jit3A : f32 to vector<16xf32>
      %broadcast_in_dim3A_77 = vector.broadcast %jit3A_75 : f32 to vector<16xf32>
      %select_n3A = arith.select %ne3A_74, %broadcast_in_dim3A_76, %broadcast_in_dim3A_77 : vector<16xi1>, vector<16xf32>
      %mul3A_78 = arith.constant 64 : i32
      %mul3A_79 = arith.muli %scan3A_69, %mul3A_78 : i32
      %add3A_80 = arith.constant 0 : i32
      %add3A_81 = arith.addi %mul3A_79, %add3A_80 : i32
      %swap3A_82 = arith.index_cast %add3A_81 : i32 to index
      %swap3A_83 = tpu.vector_load %arg8[%swap3A_82] {strides = array<i32>} : memref<2064xf32, #tpu.memory_space<vmem>>, vector<16xf32>,
      %swap3A_84 = vector.shape_cast %swap3A_83 : vector<16xf32> to vector<16xf32>
      %swap3A_85 = vector.shape_cast %select_n3A : vector<16xf32> to vector<16xf32>
      tpu.vector_store %arg8[%swap3A_82], %swap3A_85 {strides = array<i32>} : memref<2064xf32, #tpu.memory_space<vmem>>, vector<16xf32>,
      %get3A_86 = arith.index_cast %scan3A_69 : i32 to index
      %get3A_87 = arith.constant 16 : index
      %get3A_88 = tpu.vector_load %arg7[%get3A_86, %get3A_87] {strides = array<i32>} : memref<32x64xi32, #tpu.memory_space<vmem>>, vector<1x16xi32>,
      %get3A_89 = vector.shape_cast %get3A_88 : vector<1x16xi32> to vector<16xi32>
      %ne3A_90 = arith.constant 50257 : i32
      %ne3A_91 = vector.broadcast %ne3A_90 : i32 to vector<16xi32>
      %ne3A_92 = arith.cmpi ne, %get3A_89, %ne3A_91 : vector<16xi32>
      %jit3A_93 = arith.constant 19.5959187 : f32
      %jit3A_94 = arith.constant 0.000000e+00 : f32
      %broadcast_in_dim3A_95 = vector.broadcast %jit3A_93 : f32 to vector<16xf32>
      %broadcast_in_dim3A_96 = vector.broadcast %jit3A_94 : f32 to vector<16xf32>
      %select_n3A_97 = arith.select %ne3A_92, %broadcast_in_dim3A_95, %broadcast_in_dim3A_96 : vector<16xi1>, vector<16xf32>
      %mul3A_98 = arith.constant 64 : i32
      %mul3A_99 = arith.muli %scan3A_69, %mul3A_98 : i32
      %add3A_100 = arith.constant 16 : i32
      %add3A_101 = arith.addi %mul3A_99, %add3A_100 : i32
      %swap3A_102 = arith.index_cast %add3A_101 : i32 to index
      %swap3A_103 = tpu.vector_load %arg8[%swap3A_102] {strides = array<i32>} : memref<2064xf32, #tpu.memory_space<vmem>>, vector<16xf32>,
      %swap3A_104 = vector.shape_cast %swap3A_103 : vector<16xf32> to vector<16xf32>
      %swap3A_105 = vector.shape_cast %select_n3A_97 : vector<16xf32> to vector<16xf32>
      tpu.vector_store %arg8[%swap3A_102], %swap3A_105 {strides = array<i32>} : memref<2064xf32, #tpu.memory_space<vmem>>, vector<16xf32>,
      %get3A_106 = arith.index_cast %scan3A_69 : i32 to index
      %get3A_107 = arith.constant 32 : index
      %get3A_108 = tpu.vector_load %arg7[%get3A_106, %get3A_107] {strides = array<i32>} : memref<32x64xi32, #tpu.memory_space<vmem>>, vector<1x16xi32>,
      %get3A_109 = vector.shape_cast %get3A_108 : vector<1x16xi32> to vector<16xi32>
      %ne3A_110 = arith.constant 50257 : i32
      %ne3A_111 = vector.broadcast %ne3A_110 : i32 to vector<16xi32>
      %ne3A_112 = arith.cmpi ne, %get3A_109, %ne3A_111 : vector<16xi32>
      %jit3A_113 = arith.constant 19.5959187 : f32
      %jit3A_114 = arith.constant 0.000000e+00 : f32
      %broadcast_in_dim3A_115 = vector.broadcast %jit3A_113 : f32 to vector<16xf32>
      %broadcast_in_dim3A_116 = vector.broadcast %jit3A_114 : f32 to vector<16xf32>
      %select_n3A_117 = arith.select %ne3A_112, %broadcast_in_dim3A_115, %broadcast_in_dim3A_116 : vector<16xi1>, vector<16xf32>
      %mul3A_118 = arith.constant 64 : i32
      %mul3A_119 = arith.muli %scan3A_69, %mul3A_118 : i32
      %add3A_120 = arith.constant 32 : i32
      %add3A_121 = arith.addi %mul3A_119, %add3A_120 : i32
      %swap3A_122 = arith.index_cast %add3A_121 : i32 to index
      %swap3A_123 = tpu.vector_load %arg8[%swap3A_122] {strides = array<i32>} : memref<2064xf32, #tpu.memory_space<vmem>>, vector<16xf32>,
      %swap3A_124 = vector.shape_cast %swap3A_123 : vector<16xf32> to vector<16xf32>
      %swap3A_125 = vector.shape_cast %select_n3A_117 : vector<16xf32> to vector<16xf32>
      tpu.vector_store %arg8[%swap3A_122], %swap3A_125 {strides = array<i32>} : memref<2064xf32, #tpu.memory_space<vmem>>, vector<16xf32>,
      %get3A_126 = arith.index_cast %scan3A_69 : i32 to index
      %get3A_127 = arith.constant 48 : index
      %get3A_128 = tpu.vector_load %arg7[%get3A_126, %get3A_127] {strides = array<i32>} : memref<32x64xi32, #tpu.memory_space<vmem>>, vector<1x16xi32>,
      %get3A_129 = vector.shape_cast %get3A_128 : vector<1x16xi32> to vector<16xi32>
      %ne3A_130 = arith.constant 50257 : i32
      %ne3A_131 = vector.broadcast %ne3A_130 : i32 to vector<16xi32>
      %ne3A_132 = arith.cmpi ne, %get3A_129, %ne3A_131 : vector<16xi32>
      %jit3A_133 = arith.constant 19.5959187 : f32
      %jit3A_134 = arith.constant 0.000000e+00 : f32
      %broadcast_in_dim3A_135 = vector.broadcast %jit3A_133 : f32 to vector<16xf32>
      %broadcast_in_dim3A_136 = vector.broadcast %jit3A_134 : f32 to vector<16xf32>
      %select_n3A_137 = arith.select %ne3A_132, %broadcast_in_dim3A_135, %broadcast_in_dim3A_136 : vector<16xi1>, vector<16xf32>
      %mul3A_138 = arith.constant 64 : i32
      %mul3A_139 = arith.muli %scan3A_69, %mul3A_138 : i32
      %add3A_140 = arith.constant 48 : i32
      %add3A_141 = arith.addi %mul3A_139, %add3A_140 : i32
      %swap3A_142 = arith.index_cast %add3A_141 : i32 to index
      %swap3A_143 = tpu.vector_load %arg8[%swap3A_142] {strides = array<i32>} : memref<2064xf32, #tpu.memory_space<vmem>>, vector<16xf32>,
      %swap3A_144 = vector.shape_cast %swap3A_143 : vector<16xf32> to vector<16xf32>
      %swap3A_145 = vector.shape_cast %select_n3A_137 : vector<16xf32> to vector<16xf32>
      tpu.vector_store %arg8[%swap3A_142], %swap3A_145 {strides = array<i32>} : memref<2064xf32, #tpu.memory_space<vmem>>, vector<16xf32>,
    }
    %scan3A_22 = arith.constant 32 : i32
    %scan3A_23 = arith.constant 0 : i32
    %scan3A_24 = arith.constant 0 : i32
    %scan3A_25 = arith.constant 32 : i32
    %scan3A_26 = arith.addi %scan3A_24, %scan3A_25 : i32
    %scan3A_27 = arith.constant 1 : i32
    scf.for %scan3A_69 = %scan3A_24 to %scan3A_26 step %scan3A_27  : i32 {
      %rem3A = arith.constant 3 : i32
      %rem3A_70 = arith.remsi %scan3A_69, %rem3A : i32
      %add3A_71 = arith.constant 1 : i32
      %add3A_72 = arith.addi %scan3A_69, %add3A_71 : i32
      %rem3A_73 = arith.constant 3 : i32
      %rem3A_74 = arith.remsi %add3A_72, %rem3A_73 : i32
      %dma_wait3A_75 = arith.constant 0 : i32
      %dma_wait3A_76 = arith.constant 0 : i32
      %dma_wait3A_77 = tpu.memref_slice %arg9[%rem3A_70, %dma_wait3A_75, %dma_wait3A_76] : memref<3x64x384xf32, #tpu.memory_space<vmem>> -> memref<1x64x384xf32, #tpu.memory_space<vmem>>
      %dma_wait3A_78 = tpu.memref_squeeze %dma_wait3A_77 : memref<1x64x384xf32, #tpu.memory_space<vmem>> -> memref<64x384xf32, #tpu.memory_space<vmem>>
      %dma_wait3A_79 = arith.constant 0 : i32
      %dma_wait3A_80 = tpu.memref_slice %arg7[%scan3A_69, %dma_wait3A_79] : memref<32x64xi32, #tpu.memory_space<vmem>> -> memref<1x64xi32, #tpu.memory_space<vmem>>
      %dma_wait3A_81 = tpu.memref_squeeze %dma_wait3A_80 : memref<1x64xi32, #tpu.memory_space<vmem>> -> memref<64xi32, #tpu.memory_space<vmem>>
      %dma_wait3A_82 = arith.constant 0 : i32
      %dma_wait3A_83 = arith.constant 0 : i32
      %dma_wait3A_84 = tpu.memref_slice %arg3[%dma_wait3A_82, %dma_wait3A_83] : memref<50268x384xf32, #tpu.memory_space<hbm>> -> memref<50268x384xf32, #tpu.memory_space<hbm>>
      tpu.wait_indirect_dma semaphore(%arg10 : memref<!tpu.dma_semaphore, #tpu.memory_space<semaphore_mem>>) src(%dma_wait3A_84 : memref<50268x384xf32, #tpu.memory_space<hbm>>) dst(%dma_wait3A_78 : memref<64x384xf32, #tpu.memory_space<vmem>>)
      %ge3A = arith.constant 2 : i32
      %ge3A_85 = arith.cmpi sge, %scan3A_69, %ge3A : i32
      %convert_element_type3A = arith.extui %ge3A_85 : i1 to i32
      %cond3A = arith.constant 0 : i32
      %cond3A_86 = arith.cmpi ne, %convert_element_type3A, %cond3A : i32
      scf.if %cond3A_86 {
        %rem3A_207 = arith.constant 2 : i32
        %rem3A_208 = arith.remsi %scan3A_69, %rem3A_207 : i32
        %eq3A_209 = arith.constant 0 : i32
        %eq3A_210 = arith.cmpi eq, %rem3A_208, %eq3A_209 : i32
        %convert_element_type3A_211 = arith.extui %eq3A_210 : i1 to i32
        %cond3A_212 = arith.constant 0 : i32
        %cond3A_213 = arith.cmpi ne, %convert_element_type3A_211, %cond3A_212 : i32
        scf.if %cond3A_213 {
          %add3A_221 = arith.addi %mul3A_2, %scan3A_69 : i32
          %sub3A_222 = arith.constant 2 : i32
          %sub3A_223 = arith.subi %add3A_221, %sub3A_222 : i32
          %dma_wait3A_224 = arith.constant 0 : i32
          %dma_wait3A_225 = arith.constant 0 : i32
          %dma_wait3A_226 = tpu.memref_slice %arg9[%rem3A_74, %dma_wait3A_224, %dma_wait3A_225] : memref<3x64x384xf32, #tpu.memory_space<vmem>> -> memref<1x64x384xf32, #tpu.memory_space<vmem>>
          %dma_wait3A_227 = tpu.memref_squeeze %dma_wait3A_226 : memref<1x64x384xf32, #tpu.memory_space<vmem>> -> memref<64x384xf32, #tpu.memory_space<vmem>>
          %dma_wait3A_228 = arith.constant 0 : i32
          %dma_wait3A_229 = arith.constant 0 : i32
          %dma_wait3A_230 = tpu.memref_slice %arg5[%dma_wait3A_228, %sub3A_223, %dma_wait3A_229] : memref<64x1024x384xf32, #tpu.memory_space<hbm>> -> memref<64x1x384xf32, #tpu.memory_space<hbm>>
          %dma_wait3A_231 = tpu.memref_squeeze %dma_wait3A_230 : memref<64x1x384xf32, #tpu.memory_space<hbm>> -> memref<64x384xf32, #tpu.memory_space<hbm>>
          %dma_wait3A_232 = arith.constant 0 : i32
          %dma_wait3A_233 = arith.constant 0 : i32
          %dma_wait3A_234 = tpu.memref_slice %arg5[%dma_wait3A_232, %sub3A_223, %dma_wait3A_233] : memref<64x1024x384xf32, #tpu.memory_space<hbm>> -> memref<64x1x384xf32, #tpu.memory_space<hbm>>
          %dma_wait3A_235 = tpu.memref_squeeze %dma_wait3A_234 : memref<64x1x384xf32, #tpu.memory_space<hbm>> -> memref<64x384xf32, #tpu.memory_space<hbm>>
          %dma_wait3A_236 = arith.constant 0 : i32
          %dma_wait3A_237 = arith.constant 0 : i32
          %dma_wait3A_238 = tpu.memref_slice %arg9[%rem3A_74, %dma_wait3A_236, %dma_wait3A_237] : memref<3x64x384xf32, #tpu.memory_space<vmem>> -> memref<1x64x384xf32, #tpu.memory_space<vmem>>
          %dma_wait3A_239 = tpu.memref_squeeze %dma_wait3A_238 : memref<1x64x384xf32, #tpu.memory_space<vmem>> -> memref<64x384xf32, #tpu.memory_space<vmem>>
          tpu.wait_dma2 semaphore(%arg11 : memref<!tpu.dma_semaphore, #tpu.memory_space<semaphore_mem>>) src(%dma_wait3A_239 : memref<64x384xf32, #tpu.memory_space<vmem>>) dst(%dma_wait3A_235 : memref<64x384xf32, #tpu.memory_space<hbm>>)
        } else {
        }
        %rem3A_214 = arith.constant 2 : i32
        %rem3A_215 = arith.remsi %scan3A_69, %rem3A_214 : i32
        %eq3A_216 = arith.constant 1 : i32
        %eq3A_217 = arith.cmpi eq, %rem3A_215, %eq3A_216 : i32
        %convert_element_type3A_218 = arith.extui %eq3A_217 : i1 to i32
        %cond3A_219 = arith.constant 0 : i32
        %cond3A_220 = arith.cmpi ne, %convert_element_type3A_218, %cond3A_219 : i32
        scf.if %cond3A_220 {
          %add3A_221 = arith.addi %mul3A_2, %scan3A_69 : i32
          %sub3A_222 = arith.constant 2 : i32
          %sub3A_223 = arith.subi %add3A_221, %sub3A_222 : i32
          %dma_wait3A_224 = arith.constant 0 : i32
          %dma_wait3A_225 = arith.constant 0 : i32
          %dma_wait3A_226 = tpu.memref_slice %arg9[%rem3A_74, %dma_wait3A_224, %dma_wait3A_225] : memref<3x64x384xf32, #tpu.memory_space<vmem>> -> memref<1x64x384xf32, #tpu.memory_space<vmem>>
          %dma_wait3A_227 = tpu.memref_squeeze %dma_wait3A_226 : memref<1x64x384xf32, #tpu.memory_space<vmem>> -> memref<64x384xf32, #tpu.memory_space<vmem>>
          %dma_wait3A_228 = arith.constant 0 : i32
          %dma_wait3A_229 = arith.constant 0 : i32
          %dma_wait3A_230 = tpu.memref_slice %arg5[%dma_wait3A_228, %sub3A_223, %dma_wait3A_229] : memref<64x1024x384xf32, #tpu.memory_space<hbm>> -> memref<64x1x384xf32, #tpu.memory_space<hbm>>
          %dma_wait3A_231 = tpu.memref_squeeze %dma_wait3A_230 : memref<64x1x384xf32, #tpu.memory_space<hbm>> -> memref<64x384xf32, #tpu.memory_space<hbm>>
          %dma_wait3A_232 = arith.constant 0 : i32
          %dma_wait3A_233 = arith.constant 0 : i32
          %dma_wait3A_234 = tpu.memref_slice %arg5[%dma_wait3A_232, %sub3A_223, %dma_wait3A_233] : memref<64x1024x384xf32, #tpu.memory_space<hbm>> -> memref<64x1x384xf32, #tpu.memory_space<hbm>>
          %dma_wait3A_235 = tpu.memref_squeeze %dma_wait3A_234 : memref<64x1x384xf32, #tpu.memory_space<hbm>> -> memref<64x384xf32, #tpu.memory_space<hbm>>
          %dma_wait3A_236 = arith.constant 0 : i32
          %dma_wait3A_237 = arith.constant 0 : i32
          %dma_wait3A_238 = tpu.memref_slice %arg9[%rem3A_74, %dma_wait3A_236, %dma_wait3A_237] : memref<3x64x384xf32, #tpu.memory_space<vmem>> -> memref<1x64x384xf32, #tpu.memory_space<vmem>>
          %dma_wait3A_239 = tpu.memref_squeeze %dma_wait3A_238 : memref<1x64x384xf32, #tpu.memory_space<vmem>> -> memref<64x384xf32, #tpu.memory_space<vmem>>
          tpu.wait_dma2 semaphore(%arg12 : memref<!tpu.dma_semaphore, #tpu.memory_space<semaphore_mem>>) src(%dma_wait3A_239 : memref<64x384xf32, #tpu.memory_space<vmem>>) dst(%dma_wait3A_235 : memref<64x384xf32, #tpu.memory_space<hbm>>)
        } else {
        }
      } else {
      }
      %add3A_87 = arith.constant 1 : i32
      %add3A_88 = arith.addi %scan3A_69, %add3A_87 : i32
      %lt3A = arith.constant 32 : i32
      %lt3A_89 = arith.cmpi slt, %add3A_88, %lt3A : i32
      %convert_element_type3A_90 = arith.extui %lt3A_89 : i1 to i32
      %cond3A_91 = arith.constant 0 : i32
      %cond3A_92 = arith.cmpi ne, %convert_element_type3A_90, %cond3A_91 : i32
      scf.if %cond3A_92 {
        %add3A_207 = arith.constant 1 : i32
        %add3A_208 = arith.addi %scan3A_69, %add3A_207 : i32
        %dma_start3A_209 = arith.constant 0 : i32
        %dma_start3A_210 = arith.constant 0 : i32
        %dma_start3A_211 = tpu.memref_slice %arg9[%rem3A_74, %dma_start3A_209, %dma_start3A_210] : memref<3x64x384xf32, #tpu.memory_space<vmem>> -> memref<1x64x384xf32, #tpu.memory_space<vmem>>
        %dma_start3A_212 = tpu.memref_squeeze %dma_start3A_211 : memref<1x64x384xf32, #tpu.memory_space<vmem>> -> memref<64x384xf32, #tpu.memory_space<vmem>>
        %dma_start3A_213 = arith.constant 0 : i32
        %dma_start3A_214 = tpu.memref_slice %arg7[%add3A_208, %dma_start3A_213] : memref<32x64xi32, #tpu.memory_space<vmem>> -> memref<1x64xi32, #tpu.memory_space<vmem>>
        %dma_start3A_215 = tpu.memref_squeeze %dma_start3A_214 : memref<1x64xi32, #tpu.memory_space<vmem>> -> memref<64xi32, #tpu.memory_space<vmem>>
        %dma_start3A_216 = arith.constant 0 : i32
        %dma_start3A_217 = arith.constant 0 : i32
        %dma_start3A_218 = tpu.memref_slice %arg3[%dma_start3A_216, %dma_start3A_217] : memref<50268x384xf32, #tpu.memory_space<hbm>> -> memref<50268x384xf32, #tpu.memory_space<hbm>>
        tpu.enqueue_indirect_dma source(%dma_start3A_218 : memref<50268x384xf32, #tpu.memory_space<hbm>>) target(%dma_start3A_212 : memref<64x384xf32, #tpu.memory_space<vmem>>) offsets(%dma_start3A_215 : memref<64xi32, #tpu.memory_space<vmem>>) semaphore(%arg10 : memref<!tpu.dma_semaphore, #tpu.memory_space<semaphore_mem>>)
      } else {
      }
      %get3A = arith.index_cast %scan3A_69 : i32 to index
      %get3A_93 = arith.constant 0 : index
      %get3A_94 = tpu.vector_load %arg6[%get3A, %get3A_93] {strides = array<i32>} : memref<32x384xf32, #tpu.memory_space<vmem>>, vector<1x16xf32>,
      %get3A_95 = vector.shape_cast %get3A_94 : vector<1x16xf32> to vector<16xf32>
      %get3A_96 = arith.index_cast %scan3A_69 : i32 to index
      %get3A_97 = arith.constant 16 : index
      %get3A_98 = tpu.vector_load %arg6[%get3A_96, %get3A_97] {strides = array<i32>} : memref<32x384xf32, #tpu.memory_space<vmem>>, vector<1x16xf32>,
      %get3A_99 = vector.shape_cast %get3A_98 : vector<1x16xf32> to vector<16xf32>
      %get3A_100 = arith.index_cast %scan3A_69 : i32 to index
      %get3A_101 = arith.constant 32 : index
      %get3A_102 = tpu.vector_load %arg6[%get3A_100, %get3A_101] {strides = array<i32>} : memref<32x384xf32, #tpu.memory_space<vmem>>, vector<1x16xf32>,
      %get3A_103 = vector.shape_cast %get3A_102 : vector<1x16xf32> to vector<16xf32>
      %get3A_104 = arith.index_cast %scan3A_69 : i32 to index
      %get3A_105 = arith.constant 48 : index
      %get3A_106 = tpu.vector_load %arg6[%get3A_104, %get3A_105] {strides = array<i32>} : memref<32x384xf32, #tpu.memory_space<vmem>>, vector<1x16xf32>,
      %get3A_107 = vector.shape_cast %get3A_106 : vector<1x16xf32> to vector<16xf32>
      %get3A_108 = arith.index_cast %scan3A_69 : i32 to index
      %get3A_109 = arith.constant 64 : index
      %get3A_110 = tpu.vector_load %arg6[%get3A_108, %get3A_109] {strides = array<i32>} : memref<32x384xf32, #tpu.memory_space<vmem>>, vector<1x16xf32>,
      %get3A_111 = vector.shape_cast %get3A_110 : vector<1x16xf32> to vector<16xf32>
      %get3A_112 = arith.index_cast %scan3A_69 : i32 to index
      %get3A_113 = arith.constant 80 : index
      %get3A_114 = tpu.vector_load %arg6[%get3A_112, %get3A_113] {strides = array<i32>} : memref<32x384xf32, #tpu.memory_space<vmem>>, vector<1x16xf32>,
      %get3A_115 = vector.shape_cast %get3A_114 : vector<1x16xf32> to vector<16xf32>
      %get3A_116 = arith.index_cast %scan3A_69 : i32 to index
      %get3A_117 = arith.constant 96 : index
      %get3A_118 = tpu.vector_load %arg6[%get3A_116, %get3A_117] {strides = array<i32>} : memref<32x384xf32, #tpu.memory_space<vmem>>, vector<1x16xf32>,
      %get3A_119 = vector.shape_cast %get3A_118 : vector<1x16xf32> to vector<16xf32>
      %get3A_120 = arith.index_cast %scan3A_69 : i32 to index
      %get3A_121 = arith.constant 112 : index
      %get3A_122 = tpu.vector_load %arg6[%get3A_120, %get3A_121] {strides = array<i32>} : memref<32x384xf32, #tpu.memory_space<vmem>>, vector<1x16xf32>,
      %get3A_123 = vector.shape_cast %get3A_122 : vector<1x16xf32> to vector<16xf32>
      %get3A_124 = arith.index_cast %scan3A_69 : i32 to index
      %get3A_125 = arith.constant 128 : index
      %get3A_126 = tpu.vector_load %arg6[%get3A_124, %get3A_125] {strides = array<i32>} : memref<32x384xf32, #tpu.memory_space<vmem>>, vector<1x16xf32>,
      %get3A_127 = vector.shape_cast %get3A_126 : vector<1x16xf32> to vector<16xf32>
      %get3A_128 = arith.index_cast %scan3A_69 : i32 to index
      %get3A_129 = arith.constant 144 : index
      %get3A_130 = tpu.vector_load %arg6[%get3A_128, %get3A_129] {strides = array<i32>} : memref<32x384xf32, #tpu.memory_space<vmem>>, vector<1x16xf32>,
      %get3A_131 = vector.shape_cast %get3A_130 : vector<1x16xf32> to vector<16xf32>
      %get3A_132 = arith.index_cast %scan3A_69 : i32 to index
      %get3A_133 = arith.constant 160 : index
      %get3A_134 = tpu.vector_load %arg6[%get3A_132, %get3A_133] {strides = array<i32>} : memref<32x384xf32, #tpu.memory_space<vmem>>, vector<1x16xf32>,
      %get3A_135 = vector.shape_cast %get3A_134 : vector<1x16xf32> to vector<16xf32>
      %get3A_136 = arith.index_cast %scan3A_69 : i32 to index
      %get3A_137 = arith.constant 176 : index
      %get3A_138 = tpu.vector_load %arg6[%get3A_136, %get3A_137] {strides = array<i32>} : memref<32x384xf32, #tpu.memory_space<vmem>>, vector<1x16xf32>,
      %get3A_139 = vector.shape_cast %get3A_138 : vector<1x16xf32> to vector<16xf32>
      %get3A_140 = arith.index_cast %scan3A_69 : i32 to index
      %get3A_141 = arith.constant 192 : index
      %get3A_142 = tpu.vector_load %arg6[%get3A_140, %get3A_141] {strides = array<i32>} : memref<32x384xf32, #tpu.memory_space<vmem>>, vector<1x16xf32>,
      %get3A_143 = vector.shape_cast %get3A_142 : vector<1x16xf32> to vector<16xf32>
      %get3A_144 = arith.index_cast %scan3A_69 : i32 to index
      %get3A_145 = arith.constant 208 : index
      %get3A_146 = tpu.vector_load %arg6[%get3A_144, %get3A_145] {strides = array<i32>} : memref<32x384xf32, #tpu.memory_space<vmem>>, vector<1x16xf32>,
      %get3A_147 = vector.shape_cast %get3A_146 : vector<1x16xf32> to vector<16xf32>
      %get3A_148 = arith.index_cast %scan3A_69 : i32 to index
      %get3A_149 = arith.constant 224 : index
      %get3A_150 = tpu.vector_load %arg6[%get3A_148, %get3A_149] {strides = array<i32>} : memref<32x384xf32, #tpu.memory_space<vmem>>, vector<1x16xf32>,
      %get3A_151 = vector.shape_cast %get3A_150 : vector<1x16xf32> to vector<16xf32>
      %get3A_152 = arith.index_cast %scan3A_69 : i32 to index
      %get3A_153 = arith.constant 240 : index
      %get3A_154 = tpu.vector_load %arg6[%get3A_152, %get3A_153] {strides = array<i32>} : memref<32x384xf32, #tpu.memory_space<vmem>>, vector<1x16xf32>,
      %get3A_155 = vector.shape_cast %get3A_154 : vector<1x16xf32> to vector<16xf32>
      %get3A_156 = arith.index_cast %scan3A_69 : i32 to index
      %get3A_157 = arith.constant 256 : index
      %get3A_158 = tpu.vector_load %arg6[%get3A_156, %get3A_157] {strides = array<i32>} : memref<32x384xf32, #tpu.memory_space<vmem>>, vector<1x16xf32>,
      %get3A_159 = vector.shape_cast %get3A_158 : vector<1x16xf32> to vector<16xf32>
      %get3A_160 = arith.index_cast %scan3A_69 : i32 to index
      %get3A_161 = arith.constant 272 : index
      %get3A_162 = tpu.vector_load %arg6[%get3A_160, %get3A_161] {strides = array<i32>} : memref<32x384xf32, #tpu.memory_space<vmem>>, vector<1x16xf32>,
      %get3A_163 = vector.shape_cast %get3A_162 : vector<1x16xf32> to vector<16xf32>
      %get3A_164 = arith.index_cast %scan3A_69 : i32 to index
      %get3A_165 = arith.constant 288 : index
      %get3A_166 = tpu.vector_load %arg6[%get3A_164, %get3A_165] {strides = array<i32>} : memref<32x384xf32, #tpu.memory_space<vmem>>, vector<1x16xf32>,
      %get3A_167 = vector.shape_cast %get3A_166 : vector<1x16xf32> to vector<16xf32>
      %get3A_168 = arith.index_cast %scan3A_69 : i32 to index
      %get3A_169 = arith.constant 304 : index
      %get3A_170 = tpu.vector_load %arg6[%get3A_168, %get3A_169] {strides = array<i32>} : memref<32x384xf32, #tpu.memory_space<vmem>>, vector<1x16xf32>,
      %get3A_171 = vector.shape_cast %get3A_170 : vector<1x16xf32> to vector<16xf32>
      %get3A_172 = arith.index_cast %scan3A_69 : i32 to index
      %get3A_173 = arith.constant 320 : index
      %get3A_174 = tpu.vector_load %arg6[%get3A_172, %get3A_173] {strides = array<i32>} : memref<32x384xf32, #tpu.memory_space<vmem>>, vector<1x16xf32>,
      %get3A_175 = vector.shape_cast %get3A_174 : vector<1x16xf32> to vector<16xf32>
      %get3A_176 = arith.index_cast %scan3A_69 : i32 to index
      %get3A_177 = arith.constant 336 : index
      %get3A_178 = tpu.vector_load %arg6[%get3A_176, %get3A_177] {strides = array<i32>} : memref<32x384xf32, #tpu.memory_space<vmem>>, vector<1x16xf32>,
      %get3A_179 = vector.shape_cast %get3A_178 : vector<1x16xf32> to vector<16xf32>
      %get3A_180 = arith.index_cast %scan3A_69 : i32 to index
      %get3A_181 = arith.constant 352 : index
      %get3A_182 = tpu.vector_load %arg6[%get3A_180, %get3A_181] {strides = array<i32>} : memref<32x384xf32, #tpu.memory_space<vmem>>, vector<1x16xf32>,
      %get3A_183 = vector.shape_cast %get3A_182 : vector<1x16xf32> to vector<16xf32>
      %get3A_184 = arith.index_cast %scan3A_69 : i32 to index
      %get3A_185 = arith.constant 368 : index
      %get3A_186 = tpu.vector_load %arg6[%get3A_184, %get3A_185] {strides = array<i32>} : memref<32x384xf32, #tpu.memory_space<vmem>>, vector<1x16xf32>,
      %get3A_187 = vector.shape_cast %get3A_186 : vector<1x16xf32> to vector<16xf32>
      %scan3A_188 = arith.constant 0 : i32
      %scan3A_189 = arith.constant 0 : i32
      %scan3A_190 = arith.constant 64 : i32
      %scan3A_191 = arith.addi %scan3A_189, %scan3A_190 : i32
      %scan3A_192 = arith.constant 1 : i32
      scf.for %scan3A_207 = %scan3A_189 to %scan3A_191 step %scan3A_192  : i32 {
        %mul3A_208 = arith.constant 64 : i32
        %mul3A_209 = arith.muli %scan3A_69, %mul3A_208 : i32
        %add3A_210 = arith.addi %mul3A_209, %scan3A_207 : i32
        %get3A_211 = arith.index_cast %add3A_210 : i32 to index
        %get3A_212 = tpu.vector_load %arg8[%get3A_211] {strides = array<i32>} : memref<2064xf32, #tpu.memory_space<vmem>>, vector<16xf32>,
        %get3A_213 = vector.shape_cast %get3A_212 : vector<16xf32> to vector<16xf32>
        %slice3A = vector.extract_strided_slice %get3A_213 {offsets = [0], sizes = [1], strides = [1]} : vector<16xf32> to vector<1xf32>
        %squeeze3A = vector.extract %slice3A[0] : f32 from vector<1xf32>
        %broadcast_in_dim3A_214 = vector.broadcast %squeeze3A : f32 to vector<16xf32>
        %get3A_215 = arith.index_cast %rem3A_70 : i32 to index
        %get3A_216 = arith.index_cast %scan3A_207 : i32 to index
        %get3A_217 = arith.constant 0 : index
        %get3A_218 = tpu.vector_load %arg9[%get3A_215, %get3A_216, %get3A_217] {strides = array<i32>} : memref<3x64x384xf32, #tpu.memory_space<vmem>>, vector<1x1x16xf32>,
        %get3A_219 = vector.shape_cast %get3A_218 : vector<1x1x16xf32> to vector<16xf32>
        %add3A_220 = arith.addf %get3A_219, %get3A_95 : vector<16xf32>
        %mul3A_221 = arith.mulf %add3A_220, %broadcast_in_dim3A_214 : vector<16xf32>
        %swap3A_222 = arith.index_cast %rem3A_70 : i32 to index
        %swap3A_223 = arith.index_cast %scan3A_207 : i32 to index
        %swap3A_224 = arith.constant 0 : index
        %swap3A_225 = tpu.vector_load %arg9[%swap3A_222, %swap3A_223, %swap3A_224] {strides = array<i32>} : memref<3x64x384xf32, #tpu.memory_space<vmem>>, vector<1x1x16xf32>,
        %swap3A_226 = vector.shape_cast %swap3A_225 : vector<1x1x16xf32> to vector<16xf32>
        %swap3A_227 = vector.shape_cast %mul3A_221 : vector<16xf32> to vector<1x1x16xf32>
        tpu.vector_store %arg9[%swap3A_222, %swap3A_223, %swap3A_224], %swap3A_227 {strides = array<i32>} : memref<3x64x384xf32, #tpu.memory_space<vmem>>, vector<1x1x16xf32>,
        %get3A_228 = arith.index_cast %rem3A_70 : i32 to index
        %get3A_229 = arith.index_cast %scan3A_207 : i32 to index
        %get3A_230 = arith.constant 16 : index
        %get3A_231 = tpu.vector_load %arg9[%get3A_228, %get3A_229, %get3A_230] {strides = array<i32>} : memref<3x64x384xf32, #tpu.memory_space<vmem>>, vector<1x1x16xf32>,
        %get3A_232 = vector.shape_cast %get3A_231 : vector<1x1x16xf32> to vector<16xf32>
        %add3A_233 = arith.addf %get3A_232, %get3A_99 : vector<16xf32>
        %mul3A_234 = arith.mulf %add3A_233, %broadcast_in_dim3A_214 : vector<16xf32>
        %swap3A_235 = arith.index_cast %rem3A_70 : i32 to index
        %swap3A_236 = arith.index_cast %scan3A_207 : i32 to index
        %swap3A_237 = arith.constant 16 : index
        %swap3A_238 = tpu.vector_load %arg9[%swap3A_235, %swap3A_236, %swap3A_237] {strides = array<i32>} : memref<3x64x384xf32, #tpu.memory_space<vmem>>, vector<1x1x16xf32>,
        %swap3A_239 = vector.shape_cast %swap3A_238 : vector<1x1x16xf32> to vector<16xf32>
        %swap3A_240 = vector.shape_cast %mul3A_234 : vector<16xf32> to vector<1x1x16xf32>
        tpu.vector_store %arg9[%swap3A_235, %swap3A_236, %swap3A_237], %swap3A_240 {strides = array<i32>} : memref<3x64x384xf32, #tpu.memory_space<vmem>>, vector<1x1x16xf32>,
        %get3A_241 = arith.index_cast %rem3A_70 : i32 to index
        %get3A_242 = arith.index_cast %scan3A_207 : i32 to index
        %get3A_243 = arith.constant 32 : index
        %get3A_244 = tpu.vector_load %arg9[%get3A_241, %get3A_242, %get3A_243] {strides = array<i32>} : memref<3x64x384xf32, #tpu.memory_space<vmem>>, vector<1x1x16xf32>,
        %get3A_245 = vector.shape_cast %get3A_244 : vector<1x1x16xf32> to vector<16xf32>
        %add3A_246 = arith.addf %get3A_245, %get3A_103 : vector<16xf32>
        %mul3A_247 = arith.mulf %add3A_246, %broadcast_in_dim3A_214 : vector<16xf32>
        %swap3A_248 = arith.index_cast %rem3A_70 : i32 to index
        %swap3A_249 = arith.index_cast %scan3A_207 : i32 to index
        %swap3A_250 = arith.constant 32 : index
        %swap3A_251 = tpu.vector_load %arg9[%swap3A_248, %swap3A_249, %swap3A_250] {strides = array<i32>} : memref<3x64x384xf32, #tpu.memory_space<vmem>>, vector<1x1x16xf32>,
        %swap3A_252 = vector.shape_cast %swap3A_251 : vector<1x1x16xf32> to vector<16xf32>
        %swap3A_253 = vector.shape_cast %mul3A_247 : vector<16xf32> to vector<1x1x16xf32>
        tpu.vector_store %arg9[%swap3A_248, %swap3A_249, %swap3A_250], %swap3A_253 {strides = array<i32>} : memref<3x64x384xf32, #tpu.memory_space<vmem>>, vector<1x1x16xf32>,
        %get3A_254 = arith.index_cast %rem3A_70 : i32 to index
        %get3A_255 = arith.index_cast %scan3A_207 : i32 to index
        %get3A_256 = arith.constant 48 : index
        %get3A_257 = tpu.vector_load %arg9[%get3A_254, %get3A_255, %get3A_256] {strides = array<i32>} : memref<3x64x384xf32, #tpu.memory_space<vmem>>, vector<1x1x16xf32>,
        %get3A_258 = vector.shape_cast %get3A_257 : vector<1x1x16xf32> to vector<16xf32>
        %add3A_259 = arith.addf %get3A_258, %get3A_107 : vector<16xf32>
        %mul3A_260 = arith.mulf %add3A_259, %broadcast_in_dim3A_214 : vector<16xf32>
        %swap3A_261 = arith.index_cast %rem3A_70 : i32 to index
        %swap3A_262 = arith.index_cast %scan3A_207 : i32 to index
        %swap3A_263 = arith.constant 48 : index
        %swap3A_264 = tpu.vector_load %arg9[%swap3A_261, %swap3A_262, %swap3A_263] {strides = array<i32>} : memref<3x64x384xf32, #tpu.memory_space<vmem>>, vector<1x1x16xf32>,
        %swap3A_265 = vector.shape_cast %swap3A_264 : vector<1x1x16xf32> to vector<16xf32>
        %swap3A_266 = vector.shape_cast %mul3A_260 : vector<16xf32> to vector<1x1x16xf32>
        tpu.vector_store %arg9[%swap3A_261, %swap3A_262, %swap3A_263], %swap3A_266 {strides = array<i32>} : memref<3x64x384xf32, #tpu.memory_space<vmem>>, vector<1x1x16xf32>,
        %get3A_267 = arith.index_cast %rem3A_70 : i32 to index
        %get3A_268 = arith.index_cast %scan3A_207 : i32 to index
        %get3A_269 = arith.constant 64 : index
        %get3A_270 = tpu.vector_load %arg9[%get3A_267, %get3A_268, %get3A_269] {strides = array<i32>} : memref<3x64x384xf32, #tpu.memory_space<vmem>>, vector<1x1x16xf32>,
        %get3A_271 = vector.shape_cast %get3A_270 : vector<1x1x16xf32> to vector<16xf32>
        %add3A_272 = arith.addf %get3A_271, %get3A_111 : vector<16xf32>
        %mul3A_273 = arith.mulf %add3A_272, %broadcast_in_dim3A_214 : vector<16xf32>
        %swap3A_274 = arith.index_cast %rem3A_70 : i32 to index
        %swap3A_275 = arith.index_cast %scan3A_207 : i32 to index
        %swap3A_276 = arith.constant 64 : index
        %swap3A_277 = tpu.vector_load %arg9[%swap3A_274, %swap3A_275, %swap3A_276] {strides = array<i32>} : memref<3x64x384xf32, #tpu.memory_space<vmem>>, vector<1x1x16xf32>,
        %swap3A_278 = vector.shape_cast %swap3A_277 : vector<1x1x16xf32> to vector<16xf32>
        %swap3A_279 = vector.shape_cast %mul3A_273 : vector<16xf32> to vector<1x1x16xf32>
        tpu.vector_store %arg9[%swap3A_274, %swap3A_275, %swap3A_276], %swap3A_279 {strides = array<i32>} : memref<3x64x384xf32, #tpu.memory_space<vmem>>, vector<1x1x16xf32>,
        %get3A_280 = arith.index_cast %rem3A_70 : i32 to index
        %get3A_281 = arith.index_cast %scan3A_207 : i32 to index
        %get3A_282 = arith.constant 80 : index
        %get3A_283 = tpu.vector_load %arg9[%get3A_280, %get3A_281, %get3A_282] {strides = array<i32>} : memref<3x64x384xf32, #tpu.memory_space<vmem>>, vector<1x1x16xf32>,
        %get3A_284 = vector.shape_cast %get3A_283 : vector<1x1x16xf32> to vector<16xf32>
        %add3A_285 = arith.addf %get3A_284, %get3A_115 : vector<16xf32>
        %mul3A_286 = arith.mulf %add3A_285, %broadcast_in_dim3A_214 : vector<16xf32>
        %swap3A_287 = arith.index_cast %rem3A_70 : i32 to index
        %swap3A_288 = arith.index_cast %scan3A_207 : i32 to index
        %swap3A_289 = arith.constant 80 : index
        %swap3A_290 = tpu.vector_load %arg9[%swap3A_287, %swap3A_288, %swap3A_289] {strides = array<i32>} : memref<3x64x384xf32, #tpu.memory_space<vmem>>, vector<1x1x16xf32>,
        %swap3A_291 = vector.shape_cast %swap3A_290 : vector<1x1x16xf32> to vector<16xf32>
        %swap3A_292 = vector.shape_cast %mul3A_286 : vector<16xf32> to vector<1x1x16xf32>
        tpu.vector_store %arg9[%swap3A_287, %swap3A_288, %swap3A_289], %swap3A_292 {strides = array<i32>} : memref<3x64x384xf32, #tpu.memory_space<vmem>>, vector<1x1x16xf32>,
        %get3A_293 = arith.index_cast %rem3A_70 : i32 to index
        %get3A_294 = arith.index_cast %scan3A_207 : i32 to index
        %get3A_295 = arith.constant 96 : index
        %get3A_296 = tpu.vector_load %arg9[%get3A_293, %get3A_294, %get3A_295] {strides = array<i32>} : memref<3x64x384xf32, #tpu.memory_space<vmem>>, vector<1x1x16xf32>,
        %get3A_297 = vector.shape_cast %get3A_296 : vector<1x1x16xf32> to vector<16xf32>
        %add3A_298 = arith.addf %get3A_297, %get3A_119 : vector<16xf32>
        %mul3A_299 = arith.mulf %add3A_298, %broadcast_in_dim3A_214 : vector<16xf32>
        %swap3A_300 = arith.index_cast %rem3A_70 : i32 to index
        %swap3A_301 = arith.index_cast %scan3A_207 : i32 to index
        %swap3A_302 = arith.constant 96 : index
        %swap3A_303 = tpu.vector_load %arg9[%swap3A_300, %swap3A_301, %swap3A_302] {strides = array<i32>} : memref<3x64x384xf32, #tpu.memory_space<vmem>>, vector<1x1x16xf32>,
        %swap3A_304 = vector.shape_cast %swap3A_303 : vector<1x1x16xf32> to vector<16xf32>
        %swap3A_305 = vector.shape_cast %mul3A_299 : vector<16xf32> to vector<1x1x16xf32>
        tpu.vector_store %arg9[%swap3A_300, %swap3A_301, %swap3A_302], %swap3A_305 {strides = array<i32>} : memref<3x64x384xf32, #tpu.memory_space<vmem>>, vector<1x1x16xf32>,
        %get3A_306 = arith.index_cast %rem3A_70 : i32 to index
        %get3A_307 = arith.index_cast %scan3A_207 : i32 to index
        %get3A_308 = arith.constant 112 : index
        %get3A_309 = tpu.vector_load %arg9[%get3A_306, %get3A_307, %get3A_308] {strides = array<i32>} : memref<3x64x384xf32, #tpu.memory_space<vmem>>, vector<1x1x16xf32>,
        %get3A_310 = vector.shape_cast %get3A_309 : vector<1x1x16xf32> to vector<16xf32>
        %add3A_311 = arith.addf %get3A_310, %get3A_123 : vector<16xf32>
        %mul3A_312 = arith.mulf %add3A_311, %broadcast_in_dim3A_214 : vector<16xf32>
        %swap3A_313 = arith.index_cast %rem3A_70 : i32 to index
        %swap3A_314 = arith.index_cast %scan3A_207 : i32 to index
        %swap3A_315 = arith.constant 112 : index
        %swap3A_316 = tpu.vector_load %arg9[%swap3A_313, %swap3A_314, %swap3A_315] {strides = array<i32>} : memref<3x64x384xf32, #tpu.memory_space<vmem>>, vector<1x1x16xf32>,
        %swap3A_317 = vector.shape_cast %swap3A_316 : vector<1x1x16xf32> to vector<16xf32>
        %swap3A_318 = vector.shape_cast %mul3A_312 : vector<16xf32> to vector<1x1x16xf32>
        tpu.vector_store %arg9[%swap3A_313, %swap3A_314, %swap3A_315], %swap3A_318 {strides = array<i32>} : memref<3x64x384xf32, #tpu.memory_space<vmem>>, vector<1x1x16xf32>,
        %get3A_319 = arith.index_cast %rem3A_70 : i32 to index
        %get3A_320 = arith.index_cast %scan3A_207 : i32 to index
        %get3A_321 = arith.constant 128 : index
        %get3A_322 = tpu.vector_load %arg9[%get3A_319, %get3A_320, %get3A_321] {strides = array<i32>} : memref<3x64x384xf32, #tpu.memory_space<vmem>>, vector<1x1x16xf32>,
        %get3A_323 = vector.shape_cast %get3A_322 : vector<1x1x16xf32> to vector<16xf32>
        %add3A_324 = arith.addf %get3A_323, %get3A_127 : vector<16xf32>
        %mul3A_325 = arith.mulf %add3A_324, %broadcast_in_dim3A_214 : vector<16xf32>
        %swap3A_326 = arith.index_cast %rem3A_70 : i32 to index
        %swap3A_327 = arith.index_cast %scan3A_207 : i32 to index
        %swap3A_328 = arith.constant 128 : index
        %swap3A_329 = tpu.vector_load %arg9[%swap3A_326, %swap3A_327, %swap3A_328] {strides = array<i32>} : memref<3x64x384xf32, #tpu.memory_space<vmem>>, vector<1x1x16xf32>,
        %swap3A_330 = vector.shape_cast %swap3A_329 : vector<1x1x16xf32> to vector<16xf32>
        %swap3A_331 = vector.shape_cast %mul3A_325 : vector<16xf32> to vector<1x1x16xf32>
        tpu.vector_store %arg9[%swap3A_326, %swap3A_327, %swap3A_328], %swap3A_331 {strides = array<i32>} : memref<3x64x384xf32, #tpu.memory_space<vmem>>, vector<1x1x16xf32>,
        %get3A_332 = arith.index_cast %rem3A_70 : i32 to index
        %get3A_333 = arith.index_cast %scan3A_207 : i32 to index
        %get3A_334 = arith.constant 144 : index
        %get3A_335 = tpu.vector_load %arg9[%get3A_332, %get3A_333, %get3A_334] {strides = array<i32>} : memref<3x64x384xf32, #tpu.memory_space<vmem>>, vector<1x1x16xf32>,
        %get3A_336 = vector.shape_cast %get3A_335 : vector<1x1x16xf32> to vector<16xf32>
        %add3A_337 = arith.addf %get3A_336, %get3A_131 : vector<16xf32>
        %mul3A_338 = arith.mulf %add3A_337, %broadcast_in_dim3A_214 : vector<16xf32>
        %swap3A_339 = arith.index_cast %rem3A_70 : i32 to index
        %swap3A_340 = arith.index_cast %scan3A_207 : i32 to index
        %swap3A_341 = arith.constant 144 : index
        %swap3A_342 = tpu.vector_load %arg9[%swap3A_339, %swap3A_340, %swap3A_341] {strides = array<i32>} : memref<3x64x384xf32, #tpu.memory_space<vmem>>, vector<1x1x16xf32>,
        %swap3A_343 = vector.shape_cast %swap3A_342 : vector<1x1x16xf32> to vector<16xf32>
        %swap3A_344 = vector.shape_cast %mul3A_338 : vector<16xf32> to vector<1x1x16xf32>
        tpu.vector_store %arg9[%swap3A_339, %swap3A_340, %swap3A_341], %swap3A_344 {strides = array<i32>} : memref<3x64x384xf32, #tpu.memory_space<vmem>>, vector<1x1x16xf32>,
        %get3A_345 = arith.index_cast %rem3A_70 : i32 to index
        %get3A_346 = arith.index_cast %scan3A_207 : i32 to index
        %get3A_347 = arith.constant 160 : index
        %get3A_348 = tpu.vector_load %arg9[%get3A_345, %get3A_346, %get3A_347] {strides = array<i32>} : memref<3x64x384xf32, #tpu.memory_space<vmem>>, vector<1x1x16xf32>,
        %get3A_349 = vector.shape_cast %get3A_348 : vector<1x1x16xf32> to vector<16xf32>
        %add3A_350 = arith.addf %get3A_349, %get3A_135 : vector<16xf32>
        %mul3A_351 = arith.mulf %add3A_350, %broadcast_in_dim3A_214 : vector<16xf32>
        %swap3A_352 = arith.index_cast %rem3A_70 : i32 to index
        %swap3A_353 = arith.index_cast %scan3A_207 : i32 to index
        %swap3A_354 = arith.constant 160 : index
        %swap3A_355 = tpu.vector_load %arg9[%swap3A_352, %swap3A_353, %swap3A_354] {strides = array<i32>} : memref<3x64x384xf32, #tpu.memory_space<vmem>>, vector<1x1x16xf32>,
        %swap3A_356 = vector.shape_cast %swap3A_355 : vector<1x1x16xf32> to vector<16xf32>
        %swap3A_357 = vector.shape_cast %mul3A_351 : vector<16xf32> to vector<1x1x16xf32>
        tpu.vector_store %arg9[%swap3A_352, %swap3A_353, %swap3A_354], %swap3A_357 {strides = array<i32>} : memref<3x64x384xf32, #tpu.memory_space<vmem>>, vector<1x1x16xf32>,
        %get3A_358 = arith.index_cast %rem3A_70 : i32 to index
        %get3A_359 = arith.index_cast %scan3A_207 : i32 to index
        %get3A_360 = arith.constant 176 : index
        %get3A_361 = tpu.vector_load %arg9[%get3A_358, %get3A_359, %get3A_360] {strides = array<i32>} : memref<3x64x384xf32, #tpu.memory_space<vmem>>, vector<1x1x16xf32>,
        %get3A_362 = vector.shape_cast %get3A_361 : vector<1x1x16xf32> to vector<16xf32>
        %add3A_363 = arith.addf %get3A_362, %get3A_139 : vector<16xf32>
        %mul3A_364 = arith.mulf %add3A_363, %broadcast_in_dim3A_214 : vector<16xf32>
        %swap3A_365 = arith.index_cast %rem3A_70 : i32 to index
        %swap3A_366 = arith.index_cast %scan3A_207 : i32 to index
        %swap3A_367 = arith.constant 176 : index
        %swap3A_368 = tpu.vector_load %arg9[%swap3A_365, %swap3A_366, %swap3A_367] {strides = array<i32>} : memref<3x64x384xf32, #tpu.memory_space<vmem>>, vector<1x1x16xf32>,
        %swap3A_369 = vector.shape_cast %swap3A_368 : vector<1x1x16xf32> to vector<16xf32>
        %swap3A_370 = vector.shape_cast %mul3A_364 : vector<16xf32> to vector<1x1x16xf32>
        tpu.vector_store %arg9[%swap3A_365, %swap3A_366, %swap3A_367], %swap3A_370 {strides = array<i32>} : memref<3x64x384xf32, #tpu.memory_space<vmem>>, vector<1x1x16xf32>,
        %get3A_371 = arith.index_cast %rem3A_70 : i32 to index
        %get3A_372 = arith.index_cast %scan3A_207 : i32 to index
        %get3A_373 = arith.constant 192 : index
        %get3A_374 = tpu.vector_load %arg9[%get3A_371, %get3A_372, %get3A_373] {strides = array<i32>} : memref<3x64x384xf32, #tpu.memory_space<vmem>>, vector<1x1x16xf32>,
        %get3A_375 = vector.shape_cast %get3A_374 : vector<1x1x16xf32> to vector<16xf32>
        %add3A_376 = arith.addf %get3A_375, %get3A_143 : vector<16xf32>
        %mul3A_377 = arith.mulf %add3A_376, %broadcast_in_dim3A_214 : vector<16xf32>
        %swap3A_378 = arith.index_cast %rem3A_70 : i32 to index
        %swap3A_379 = arith.index_cast %scan3A_207 : i32 to index
        %swap3A_380 = arith.constant 192 : index
        %swap3A_381 = tpu.vector_load %arg9[%swap3A_378, %swap3A_379, %swap3A_380] {strides = array<i32>} : memref<3x64x384xf32, #tpu.memory_space<vmem>>, vector<1x1x16xf32>,
        %swap3A_382 = vector.shape_cast %swap3A_381 : vector<1x1x16xf32> to vector<16xf32>
        %swap3A_383 = vector.shape_cast %mul3A_377 : vector<16xf32> to vector<1x1x16xf32>
        tpu.vector_store %arg9[%swap3A_378, %swap3A_379, %swap3A_380], %swap3A_383 {strides = array<i32>} : memref<3x64x384xf32, #tpu.memory_space<vmem>>, vector<1x1x16xf32>,
        %get3A_384 = arith.index_cast %rem3A_70 : i32 to index
        %get3A_385 = arith.index_cast %scan3A_207 : i32 to index
        %get3A_386 = arith.constant 208 : index
        %get3A_387 = tpu.vector_load %arg9[%get3A_384, %get3A_385, %get3A_386] {strides = array<i32>} : memref<3x64x384xf32, #tpu.memory_space<vmem>>, vector<1x1x16xf32>,
        %get3A_388 = vector.shape_cast %get3A_387 : vector<1x1x16xf32> to vector<16xf32>
        %add3A_389 = arith.addf %get3A_388, %get3A_147 : vector<16xf32>
        %mul3A_390 = arith.mulf %add3A_389, %broadcast_in_dim3A_214 : vector<16xf32>
        %swap3A_391 = arith.index_cast %rem3A_70 : i32 to index
        %swap3A_392 = arith.index_cast %scan3A_207 : i32 to index
        %swap3A_393 = arith.constant 208 : index
        %swap3A_394 = tpu.vector_load %arg9[%swap3A_391, %swap3A_392, %swap3A_393] {strides = array<i32>} : memref<3x64x384xf32, #tpu.memory_space<vmem>>, vector<1x1x16xf32>,
        %swap3A_395 = vector.shape_cast %swap3A_394 : vector<1x1x16xf32> to vector<16xf32>
        %swap3A_396 = vector.shape_cast %mul3A_390 : vector<16xf32> to vector<1x1x16xf32>
        tpu.vector_store %arg9[%swap3A_391, %swap3A_392, %swap3A_393], %swap3A_396 {strides = array<i32>} : memref<3x64x384xf32, #tpu.memory_space<vmem>>, vector<1x1x16xf32>,
        %get3A_397 = arith.index_cast %rem3A_70 : i32 to index
        %get3A_398 = arith.index_cast %scan3A_207 : i32 to index
        %get3A_399 = arith.constant 224 : index
        %get3A_400 = tpu.vector_load %arg9[%get3A_397, %get3A_398, %get3A_399] {strides = array<i32>} : memref<3x64x384xf32, #tpu.memory_space<vmem>>, vector<1x1x16xf32>,
        %get3A_401 = vector.shape_cast %get3A_400 : vector<1x1x16xf32> to vector<16xf32>
        %add3A_402 = arith.addf %get3A_401, %get3A_151 : vector<16xf32>
        %mul3A_403 = arith.mulf %add3A_402, %broadcast_in_dim3A_214 : vector<16xf32>
        %swap3A_404 = arith.index_cast %rem3A_70 : i32 to index
        %swap3A_405 = arith.index_cast %scan3A_207 : i32 to index
        %swap3A_406 = arith.constant 224 : index
        %swap3A_407 = tpu.vector_load %arg9[%swap3A_404, %swap3A_405, %swap3A_406] {strides = array<i32>} : memref<3x64x384xf32, #tpu.memory_space<vmem>>, vector<1x1x16xf32>,
        %swap3A_408 = vector.shape_cast %swap3A_407 : vector<1x1x16xf32> to vector<16xf32>
        %swap3A_409 = vector.shape_cast %mul3A_403 : vector<16xf32> to vector<1x1x16xf32>
        tpu.vector_store %arg9[%swap3A_404, %swap3A_405, %swap3A_406], %swap3A_409 {strides = array<i32>} : memref<3x64x384xf32, #tpu.memory_space<vmem>>, vector<1x1x16xf32>,
        %get3A_410 = arith.index_cast %rem3A_70 : i32 to index
        %get3A_411 = arith.index_cast %scan3A_207 : i32 to index
        %get3A_412 = arith.constant 240 : index
        %get3A_413 = tpu.vector_load %arg9[%get3A_410, %get3A_411, %get3A_412] {strides = array<i32>} : memref<3x64x384xf32, #tpu.memory_space<vmem>>, vector<1x1x16xf32>,
        %get3A_414 = vector.shape_cast %get3A_413 : vector<1x1x16xf32> to vector<16xf32>
        %add3A_415 = arith.addf %get3A_414, %get3A_155 : vector<16xf32>
        %mul3A_416 = arith.mulf %add3A_415, %broadcast_in_dim3A_214 : vector<16xf32>
        %swap3A_417 = arith.index_cast %rem3A_70 : i32 to index
        %swap3A_418 = arith.index_cast %scan3A_207 : i32 to index
        %swap3A_419 = arith.constant 240 : index
        %swap3A_420 = tpu.vector_load %arg9[%swap3A_417, %swap3A_418, %swap3A_419] {strides = array<i32>} : memref<3x64x384xf32, #tpu.memory_space<vmem>>, vector<1x1x16xf32>,
        %swap3A_421 = vector.shape_cast %swap3A_420 : vector<1x1x16xf32> to vector<16xf32>
        %swap3A_422 = vector.shape_cast %mul3A_416 : vector<16xf32> to vector<1x1x16xf32>
        tpu.vector_store %arg9[%swap3A_417, %swap3A_418, %swap3A_419], %swap3A_422 {strides = array<i32>} : memref<3x64x384xf32, #tpu.memory_space<vmem>>, vector<1x1x16xf32>,
        %get3A_423 = arith.index_cast %rem3A_70 : i32 to index
        %get3A_424 = arith.index_cast %scan3A_207 : i32 to index
        %get3A_425 = arith.constant 256 : index
        %get3A_426 = tpu.vector_load %arg9[%get3A_423, %get3A_424, %get3A_425] {strides = array<i32>} : memref<3x64x384xf32, #tpu.memory_space<vmem>>, vector<1x1x16xf32>,
        %get3A_427 = vector.shape_cast %get3A_426 : vector<1x1x16xf32> to vector<16xf32>
        %add3A_428 = arith.addf %get3A_427, %get3A_159 : vector<16xf32>
        %mul3A_429 = arith.mulf %add3A_428, %broadcast_in_dim3A_214 : vector<16xf32>
        %swap3A_430 = arith.index_cast %rem3A_70 : i32 to index
        %swap3A_431 = arith.index_cast %scan3A_207 : i32 to index
        %swap3A_432 = arith.constant 256 : index
        %swap3A_433 = tpu.vector_load %arg9[%swap3A_430, %swap3A_431, %swap3A_432] {strides = array<i32>} : memref<3x64x384xf32, #tpu.memory_space<vmem>>, vector<1x1x16xf32>,
        %swap3A_434 = vector.shape_cast %swap3A_433 : vector<1x1x16xf32> to vector<16xf32>
        %swap3A_435 = vector.shape_cast %mul3A_429 : vector<16xf32> to vector<1x1x16xf32>
        tpu.vector_store %arg9[%swap3A_430, %swap3A_431, %swap3A_432], %swap3A_435 {strides = array<i32>} : memref<3x64x384xf32, #tpu.memory_space<vmem>>, vector<1x1x16xf32>,
        %get3A_436 = arith.index_cast %rem3A_70 : i32 to index
        %get3A_437 = arith.index_cast %scan3A_207 : i32 to index
        %get3A_438 = arith.constant 272 : index
        %get3A_439 = tpu.vector_load %arg9[%get3A_436, %get3A_437, %get3A_438] {strides = array<i32>} : memref<3x64x384xf32, #tpu.memory_space<vmem>>, vector<1x1x16xf32>,
        %get3A_440 = vector.shape_cast %get3A_439 : vector<1x1x16xf32> to vector<16xf32>
        %add3A_441 = arith.addf %get3A_440, %get3A_163 : vector<16xf32>
        %mul3A_442 = arith.mulf %add3A_441, %broadcast_in_dim3A_214 : vector<16xf32>
        %swap3A_443 = arith.index_cast %rem3A_70 : i32 to index
        %swap3A_444 = arith.index_cast %scan3A_207 : i32 to index
        %swap3A_445 = arith.constant 272 : index
        %swap3A_446 = tpu.vector_load %arg9[%swap3A_443, %swap3A_444, %swap3A_445] {strides = array<i32>} : memref<3x64x384xf32, #tpu.memory_space<vmem>>, vector<1x1x16xf32>,
        %swap3A_447 = vector.shape_cast %swap3A_446 : vector<1x1x16xf32> to vector<16xf32>
        %swap3A_448 = vector.shape_cast %mul3A_442 : vector<16xf32> to vector<1x1x16xf32>
        tpu.vector_store %arg9[%swap3A_443, %swap3A_444, %swap3A_445], %swap3A_448 {strides = array<i32>} : memref<3x64x384xf32, #tpu.memory_space<vmem>>, vector<1x1x16xf32>,
        %get3A_449 = arith.index_cast %rem3A_70 : i32 to index
        %get3A_450 = arith.index_cast %scan3A_207 : i32 to index
        %get3A_451 = arith.constant 288 : index
        %get3A_452 = tpu.vector_load %arg9[%get3A_449, %get3A_450, %get3A_451] {strides = array<i32>} : memref<3x64x384xf32, #tpu.memory_space<vmem>>, vector<1x1x16xf32>,
        %get3A_453 = vector.shape_cast %get3A_452 : vector<1x1x16xf32> to vector<16xf32>
        %add3A_454 = arith.addf %get3A_453, %get3A_167 : vector<16xf32>
        %mul3A_455 = arith.mulf %add3A_454, %broadcast_in_dim3A_214 : vector<16xf32>
        %swap3A_456 = arith.index_cast %rem3A_70 : i32 to index
        %swap3A_457 = arith.index_cast %scan3A_207 : i32 to index
        %swap3A_458 = arith.constant 288 : index
        %swap3A_459 = tpu.vector_load %arg9[%swap3A_456, %swap3A_457, %swap3A_458] {strides = array<i32>} : memref<3x64x384xf32, #tpu.memory_space<vmem>>, vector<1x1x16xf32>,
        %swap3A_460 = vector.shape_cast %swap3A_459 : vector<1x1x16xf32> to vector<16xf32>
        %swap3A_461 = vector.shape_cast %mul3A_455 : vector<16xf32> to vector<1x1x16xf32>
        tpu.vector_store %arg9[%swap3A_456, %swap3A_457, %swap3A_458], %swap3A_461 {strides = array<i32>} : memref<3x64x384xf32, #tpu.memory_space<vmem>>, vector<1x1x16xf32>,
        %get3A_462 = arith.index_cast %rem3A_70 : i32 to index
        %get3A_463 = arith.index_cast %scan3A_207 : i32 to index
        %get3A_464 = arith.constant 304 : index
        %get3A_465 = tpu.vector_load %arg9[%get3A_462, %get3A_463, %get3A_464] {strides = array<i32>} : memref<3x64x384xf32, #tpu.memory_space<vmem>>, vector<1x1x16xf32>,
        %get3A_466 = vector.shape_cast %get3A_465 : vector<1x1x16xf32> to vector<16xf32>
        %add3A_467 = arith.addf %get3A_466, %get3A_171 : vector<16xf32>
        %mul3A_468 = arith.mulf %add3A_467, %broadcast_in_dim3A_214 : vector<16xf32>
        %swap3A_469 = arith.index_cast %rem3A_70 : i32 to index
        %swap3A_470 = arith.index_cast %scan3A_207 : i32 to index
        %swap3A_471 = arith.constant 304 : index
        %swap3A_472 = tpu.vector_load %arg9[%swap3A_469, %swap3A_470, %swap3A_471] {strides = array<i32>} : memref<3x64x384xf32, #tpu.memory_space<vmem>>, vector<1x1x16xf32>,
        %swap3A_473 = vector.shape_cast %swap3A_472 : vector<1x1x16xf32> to vector<16xf32>
        %swap3A_474 = vector.shape_cast %mul3A_468 : vector<16xf32> to vector<1x1x16xf32>
        tpu.vector_store %arg9[%swap3A_469, %swap3A_470, %swap3A_471], %swap3A_474 {strides = array<i32>} : memref<3x64x384xf32, #tpu.memory_space<vmem>>, vector<1x1x16xf32>,
        %get3A_475 = arith.index_cast %rem3A_70 : i32 to index
        %get3A_476 = arith.index_cast %scan3A_207 : i32 to index
        %get3A_477 = arith.constant 320 : index
        %get3A_478 = tpu.vector_load %arg9[%get3A_475, %get3A_476, %get3A_477] {strides = array<i32>} : memref<3x64x384xf32, #tpu.memory_space<vmem>>, vector<1x1x16xf32>,
        %get3A_479 = vector.shape_cast %get3A_478 : vector<1x1x16xf32> to vector<16xf32>
        %add3A_480 = arith.addf %get3A_479, %get3A_175 : vector<16xf32>
        %mul3A_481 = arith.mulf %add3A_480, %broadcast_in_dim3A_214 : vector<16xf32>
        %swap3A_482 = arith.index_cast %rem3A_70 : i32 to index
        %swap3A_483 = arith.index_cast %scan3A_207 : i32 to index
        %swap3A_484 = arith.constant 320 : index
        %swap3A_485 = tpu.vector_load %arg9[%swap3A_482, %swap3A_483, %swap3A_484] {strides = array<i32>} : memref<3x64x384xf32, #tpu.memory_space<vmem>>, vector<1x1x16xf32>,
        %swap3A_486 = vector.shape_cast %swap3A_485 : vector<1x1x16xf32> to vector<16xf32>
        %swap3A_487 = vector.shape_cast %mul3A_481 : vector<16xf32> to vector<1x1x16xf32>
        tpu.vector_store %arg9[%swap3A_482, %swap3A_483, %swap3A_484], %swap3A_487 {strides = array<i32>} : memref<3x64x384xf32, #tpu.memory_space<vmem>>, vector<1x1x16xf32>,
        %get3A_488 = arith.index_cast %rem3A_70 : i32 to index
        %get3A_489 = arith.index_cast %scan3A_207 : i32 to index
        %get3A_490 = arith.constant 336 : index
        %get3A_491 = tpu.vector_load %arg9[%get3A_488, %get3A_489, %get3A_490] {strides = array<i32>} : memref<3x64x384xf32, #tpu.memory_space<vmem>>, vector<1x1x16xf32>,
        %get3A_492 = vector.shape_cast %get3A_491 : vector<1x1x16xf32> to vector<16xf32>
        %add3A_493 = arith.addf %get3A_492, %get3A_179 : vector<16xf32>
        %mul3A_494 = arith.mulf %add3A_493, %broadcast_in_dim3A_214 : vector<16xf32>
        %swap3A_495 = arith.index_cast %rem3A_70 : i32 to index
        %swap3A_496 = arith.index_cast %scan3A_207 : i32 to index
        %swap3A_497 = arith.constant 336 : index
        %swap3A_498 = tpu.vector_load %arg9[%swap3A_495, %swap3A_496, %swap3A_497] {strides = array<i32>} : memref<3x64x384xf32, #tpu.memory_space<vmem>>, vector<1x1x16xf32>,
        %swap3A_499 = vector.shape_cast %swap3A_498 : vector<1x1x16xf32> to vector<16xf32>
        %swap3A_500 = vector.shape_cast %mul3A_494 : vector<16xf32> to vector<1x1x16xf32>
        tpu.vector_store %arg9[%swap3A_495, %swap3A_496, %swap3A_497], %swap3A_500 {strides = array<i32>} : memref<3x64x384xf32, #tpu.memory_space<vmem>>, vector<1x1x16xf32>,
        %get3A_501 = arith.index_cast %rem3A_70 : i32 to index
        %get3A_502 = arith.index_cast %scan3A_207 : i32 to index
        %get3A_503 = arith.constant 352 : index
        %get3A_504 = tpu.vector_load %arg9[%get3A_501, %get3A_502, %get3A_503] {strides = array<i32>} : memref<3x64x384xf32, #tpu.memory_space<vmem>>, vector<1x1x16xf32>,
        %get3A_505 = vector.shape_cast %get3A_504 : vector<1x1x16xf32> to vector<16xf32>
        %add3A_506 = arith.addf %get3A_505, %get3A_183 : vector<16xf32>
        %mul3A_507 = arith.mulf %add3A_506, %broadcast_in_dim3A_214 : vector<16xf32>
        %swap3A_508 = arith.index_cast %rem3A_70 : i32 to index
        %swap3A_509 = arith.index_cast %scan3A_207 : i32 to index
        %swap3A_510 = arith.constant 352 : index
        %swap3A_511 = tpu.vector_load %arg9[%swap3A_508, %swap3A_509, %swap3A_510] {strides = array<i32>} : memref<3x64x384xf32, #tpu.memory_space<vmem>>, vector<1x1x16xf32>,
        %swap3A_512 = vector.shape_cast %swap3A_511 : vector<1x1x16xf32> to vector<16xf32>
        %swap3A_513 = vector.shape_cast %mul3A_507 : vector<16xf32> to vector<1x1x16xf32>
        tpu.vector_store %arg9[%swap3A_508, %swap3A_509, %swap3A_510], %swap3A_513 {strides = array<i32>} : memref<3x64x384xf32, #tpu.memory_space<vmem>>, vector<1x1x16xf32>,
        %get3A_514 = arith.index_cast %rem3A_70 : i32 to index
        %get3A_515 = arith.index_cast %scan3A_207 : i32 to index
        %get3A_516 = arith.constant 368 : index
        %get3A_517 = tpu.vector_load %arg9[%get3A_514, %get3A_515, %get3A_516] {strides = array<i32>} : memref<3x64x384xf32, #tpu.memory_space<vmem>>, vector<1x1x16xf32>,
        %get3A_518 = vector.shape_cast %get3A_517 : vector<1x1x16xf32> to vector<16xf32>
        %add3A_519 = arith.addf %get3A_518, %get3A_187 : vector<16xf32>
        %mul3A_520 = arith.mulf %add3A_519, %broadcast_in_dim3A_214 : vector<16xf32>
        %swap3A_521 = arith.index_cast %rem3A_70 : i32 to index
        %swap3A_522 = arith.index_cast %scan3A_207 : i32 to index
        %swap3A_523 = arith.constant 368 : index
        %swap3A_524 = tpu.vector_load %arg9[%swap3A_521, %swap3A_522, %swap3A_523] {strides = array<i32>} : memref<3x64x384xf32, #tpu.memory_space<vmem>>, vector<1x1x16xf32>,
        %swap3A_525 = vector.shape_cast %swap3A_524 : vector<1x1x16xf32> to vector<16xf32>
        %swap3A_526 = vector.shape_cast %mul3A_520 : vector<16xf32> to vector<1x1x16xf32>
        tpu.vector_store %arg9[%swap3A_521, %swap3A_522, %swap3A_523], %swap3A_526 {strides = array<i32>} : memref<3x64x384xf32, #tpu.memory_space<vmem>>, vector<1x1x16xf32>,
      }
      %scan3A_193 = arith.constant 64 : i32
      %rem3A_194 = arith.constant 2 : i32
      %rem3A_195 = arith.remsi %scan3A_69, %rem3A_194 : i32
      %eq3A = arith.constant 0 : i32
      %eq3A_196 = arith.cmpi eq, %rem3A_195, %eq3A : i32
      %convert_element_type3A_197 = arith.extui %eq3A_196 : i1 to i32
      %cond3A_198 = arith.constant 0 : i32
      %cond3A_199 = arith.cmpi ne, %convert_element_type3A_197, %cond3A_198 : i32
      scf.if %cond3A_199 {
        %add3A_207 = arith.addi %mul3A_2, %scan3A_69 : i32
        %dma_start3A_208 = arith.constant 0 : i32
        %dma_start3A_209 = arith.constant 0 : i32
        %dma_start3A_210 = tpu.memref_slice %arg9[%rem3A_70, %dma_start3A_208, %dma_start3A_209] : memref<3x64x384xf32, #tpu.memory_space<vmem>> -> memref<1x64x384xf32, #tpu.memory_space<vmem>>
        %dma_start3A_211 = tpu.memref_squeeze %dma_start3A_210 : memref<1x64x384xf32, #tpu.memory_space<vmem>> -> memref<64x384xf32, #tpu.memory_space<vmem>>
        %dma_start3A_212 = arith.constant 0 : i32
        %dma_start3A_213 = arith.constant 0 : i32
        %dma_start3A_214 = tpu.memref_slice %arg5[%dma_start3A_212, %add3A_207, %dma_start3A_213] : memref<64x1024x384xf32, #tpu.memory_space<hbm>> -> memref<64x1x384xf32, #tpu.memory_space<hbm>>
        %dma_start3A_215 = tpu.memref_squeeze %dma_start3A_214 : memref<64x1x384xf32, #tpu.memory_space<hbm>> -> memref<64x384xf32, #tpu.memory_space<hbm>>
        %dma_start3A_216 = arith.constant 0 : i32
        %dma_start3A_217 = arith.constant 0 : i32
        %dma_start3A_218 = tpu.memref_slice %arg5[%dma_start3A_216, %add3A_207, %dma_start3A_217] : memref<64x1024x384xf32, #tpu.memory_space<hbm>> -> memref<64x1x384xf32, #tpu.memory_space<hbm>>
        %dma_start3A_219 = tpu.memref_squeeze %dma_start3A_218 : memref<64x1x384xf32, #tpu.memory_space<hbm>> -> memref<64x384xf32, #tpu.memory_space<hbm>>
        %dma_start3A_220 = arith.constant 0 : i32
        %dma_start3A_221 = arith.constant 0 : i32
        %dma_start3A_222 = tpu.memref_slice %arg9[%rem3A_70, %dma_start3A_220, %dma_start3A_221] : memref<3x64x384xf32, #tpu.memory_space<vmem>> -> memref<1x64x384xf32, #tpu.memory_space<vmem>>
        %dma_start3A_223 = tpu.memref_squeeze %dma_start3A_222 : memref<1x64x384xf32, #tpu.memory_space<vmem>> -> memref<64x384xf32, #tpu.memory_space<vmem>>
        tpu.enqueue_dma source(%dma_start3A_223 : memref<64x384xf32, #tpu.memory_space<vmem>>) target(%dma_start3A_219 : memref<64x384xf32, #tpu.memory_space<hbm>>) target_semaphore(%arg11 : memref<!tpu.dma_semaphore, #tpu.memory_space<semaphore_mem>>)
      } else {
      }
      %rem3A_200 = arith.constant 2 : i32
      %rem3A_201 = arith.remsi %scan3A_69, %rem3A_200 : i32
      %eq3A_202 = arith.constant 1 : i32
      %eq3A_203 = arith.cmpi eq, %rem3A_201, %eq3A_202 : i32
      %convert_element_type3A_204 = arith.extui %eq3A_203 : i1 to i32
      %cond3A_205 = arith.constant 0 : i32
      %cond3A_206 = arith.cmpi ne, %convert_element_type3A_204, %cond3A_205 : i32
      scf.if %cond3A_206 {
        %add3A_207 = arith.addi %mul3A_2, %scan3A_69 : i32
        %dma_start3A_208 = arith.constant 0 : i32
        %dma_start3A_209 = arith.constant 0 : i32
        %dma_start3A_210 = tpu.memref_slice %arg9[%rem3A_70, %dma_start3A_208, %dma_start3A_209] : memref<3x64x384xf32, #tpu.memory_space<vmem>> -> memref<1x64x384xf32, #tpu.memory_space<vmem>>
        %dma_start3A_211 = tpu.memref_squeeze %dma_start3A_210 : memref<1x64x384xf32, #tpu.memory_space<vmem>> -> memref<64x384xf32, #tpu.memory_space<vmem>>
        %dma_start3A_212 = arith.constant 0 : i32
        %dma_start3A_213 = arith.constant 0 : i32
        %dma_start3A_214 = tpu.memref_slice %arg5[%dma_start3A_212, %add3A_207, %dma_start3A_213] : memref<64x1024x384xf32, #tpu.memory_space<hbm>> -> memref<64x1x384xf32, #tpu.memory_space<hbm>>
        %dma_start3A_215 = tpu.memref_squeeze %dma_start3A_214 : memref<64x1x384xf32, #tpu.memory_space<hbm>> -> memref<64x384xf32, #tpu.memory_space<hbm>>
        %dma_start3A_216 = arith.constant 0 : i32
        %dma_start3A_217 = arith.constant 0 : i32
        %dma_start3A_218 = tpu.memref_slice %arg5[%dma_start3A_216, %add3A_207, %dma_start3A_217] : memref<64x1024x384xf32, #tpu.memory_space<hbm>> -> memref<64x1x384xf32, #tpu.memory_space<hbm>>
        %dma_start3A_219 = tpu.memref_squeeze %dma_start3A_218 : memref<64x1x384xf32, #tpu.memory_space<hbm>> -> memref<64x384xf32, #tpu.memory_space<hbm>>
        %dma_start3A_220 = arith.constant 0 : i32
        %dma_start3A_221 = arith.constant 0 : i32
        %dma_start3A_222 = tpu.memref_slice %arg9[%rem3A_70, %dma_start3A_220, %dma_start3A_221] : memref<3x64x384xf32, #tpu.memory_space<vmem>> -> memref<1x64x384xf32, #tpu.memory_space<vmem>>
        %dma_start3A_223 = tpu.memref_squeeze %dma_start3A_222 : memref<1x64x384xf32, #tpu.memory_space<vmem>> -> memref<64x384xf32, #tpu.memory_space<vmem>>
        tpu.enqueue_dma source(%dma_start3A_223 : memref<64x384xf32, #tpu.memory_space<vmem>>) target(%dma_start3A_219 : memref<64x384xf32, #tpu.memory_space<hbm>>) target_semaphore(%arg12 : memref<!tpu.dma_semaphore, #tpu.memory_space<semaphore_mem>>)
      } else {
      }
    }
    %scan3A_28 = arith.constant 32 : i32
    %add3A_29 = arith.constant 32 : i32
    %add3A_30 = arith.addi %mul3A_2, %add3A_29 : i32
    %sub3A = arith.constant 2 : i32
    %sub3A_31 = arith.subi %add3A_30, %sub3A : i32
    %dma_wait3A = arith.constant 0 : i32
    %dma_wait3A_32 = arith.constant 0 : i32
    %dma_wait3A_33 = arith.constant 0 : i32
    %dma_wait3A_34 = tpu.memref_slice %arg9[%dma_wait3A, %dma_wait3A_32, %dma_wait3A_33] : memref<3x64x384xf32, #tpu.memory_space<vmem>> -> memref<1x64x384xf32, #tpu.memory_space<vmem>>
    %dma_wait3A_35 = tpu.memref_squeeze %dma_wait3A_34 : memref<1x64x384xf32, #tpu.memory_space<vmem>> -> memref<64x384xf32, #tpu.memory_space<vmem>>
    %dma_wait3A_36 = arith.constant 0 : i32
    %dma_wait3A_37 = arith.constant 0 : i32
    %dma_wait3A_38 = tpu.memref_slice %arg5[%dma_wait3A_36, %sub3A_31, %dma_wait3A_37] : memref<64x1024x384xf32, #tpu.memory_space<hbm>> -> memref<64x1x384xf32, #tpu.memory_space<hbm>>
    %dma_wait3A_39 = tpu.memref_squeeze %dma_wait3A_38 : memref<64x1x384xf32, #tpu.memory_space<hbm>> -> memref<64x384xf32, #tpu.memory_space<hbm>>
    %dma_wait3A_40 = arith.constant 0 : i32
    %dma_wait3A_41 = arith.constant 0 : i32
    %dma_wait3A_42 = tpu.memref_slice %arg5[%dma_wait3A_40, %sub3A_31, %dma_wait3A_41] : memref<64x1024x384xf32, #tpu.memory_space<hbm>> -> memref<64x1x384xf32, #tpu.memory_space<hbm>>
    %dma_wait3A_43 = tpu.memref_squeeze %dma_wait3A_42 : memref<64x1x384xf32, #tpu.memory_space<hbm>> -> memref<64x384xf32, #tpu.memory_space<hbm>>
    %dma_wait3A_44 = arith.constant 0 : i32
    %dma_wait3A_45 = arith.constant 0 : i32
    %dma_wait3A_46 = tpu.memref_slice %arg9[%dma_wait3A, %dma_wait3A_44, %dma_wait3A_45] : memref<3x64x384xf32, #tpu.memory_space<vmem>> -> memref<1x64x384xf32, #tpu.memory_space<vmem>>
    %dma_wait3A_47 = tpu.memref_squeeze %dma_wait3A_46 : memref<1x64x384xf32, #tpu.memory_space<vmem>> -> memref<64x384xf32, #tpu.memory_space<vmem>>
    tpu.wait_dma2 semaphore(%arg11 : memref<!tpu.dma_semaphore, #tpu.memory_space<semaphore_mem>>) src(%dma_wait3A_47 : memref<64x384xf32, #tpu.memory_space<vmem>>) dst(%dma_wait3A_43 : memref<64x384xf32, #tpu.memory_space<hbm>>)
    %add3A_48 = arith.constant 32 : i32
    %add3A_49 = arith.addi %mul3A_2, %add3A_48 : i32
    %sub3A_50 = arith.constant 1 : i32
    %sub3A_51 = arith.subi %add3A_49, %sub3A_50 : i32
    %dma_wait3A_52 = arith.constant 0 : i32
    %dma_wait3A_53 = arith.constant 0 : i32
    %dma_wait3A_54 = arith.constant 0 : i32
    %dma_wait3A_55 = tpu.memref_slice %arg9[%dma_wait3A_52, %dma_wait3A_53, %dma_wait3A_54] : memref<3x64x384xf32, #tpu.memory_space<vmem>> -> memref<1x64x384xf32, #tpu.memory_space<vmem>>
    %dma_wait3A_56 = tpu.memref_squeeze %dma_wait3A_55 : memref<1x64x384xf32, #tpu.memory_space<vmem>> -> memref<64x384xf32, #tpu.memory_space<vmem>>
    %dma_wait3A_57 = arith.constant 0 : i32
    %dma_wait3A_58 = arith.constant 0 : i32
    %dma_wait3A_59 = tpu.memref_slice %arg5[%dma_wait3A_57, %sub3A_51, %dma_wait3A_58] : memref<64x1024x384xf32, #tpu.memory_space<hbm>> -> memref<64x1x384xf32, #tpu.memory_space<hbm>>
    %dma_wait3A_60 = tpu.memref_squeeze %dma_wait3A_59 : memref<64x1x384xf32, #tpu.memory_space<hbm>> -> memref<64x384xf32, #tpu.memory_space<hbm>>
    %dma_wait3A_61 = arith.constant 0 : i32
    %dma_wait3A_62 = arith.constant 0 : i32
    %dma_wait3A_63 = tpu.memref_slice %arg5[%dma_wait3A_61, %sub3A_51, %dma_wait3A_62] : memref<64x1024x384xf32, #tpu.memory_space<hbm>> -> memref<64x1x384xf32, #tpu.memory_space<hbm>>
    %dma_wait3A_64 = tpu.memref_squeeze %dma_wait3A_63 : memref<64x1x384xf32, #tpu.memory_space<hbm>> -> memref<64x384xf32, #tpu.memory_space<hbm>>
    %dma_wait3A_65 = arith.constant 0 : i32
    %dma_wait3A_66 = arith.constant 0 : i32
    %dma_wait3A_67 = tpu.memref_slice %arg9[%dma_wait3A_52, %dma_wait3A_65, %dma_wait3A_66] : memref<3x64x384xf32, #tpu.memory_space<vmem>> -> memref<1x64x384xf32, #tpu.memory_space<vmem>>
    %dma_wait3A_68 = tpu.memref_squeeze %dma_wait3A_67 : memref<1x64x384xf32, #tpu.memory_space<vmem>> -> memref<64x384xf32, #tpu.memory_space<vmem>>
    tpu.wait_dma2 semaphore(%arg12 : memref<!tpu.dma_semaphore, #tpu.memory_space<semaphore_mem>>) src(%dma_wait3A_68 : memref<64x384xf32, #tpu.memory_space<vmem>>) dst(%dma_wait3A_64 : memref<64x384xf32, #tpu.memory_space<hbm>>)
    return
  }
}

</mosaic_0001>

<sc_bundles>
// kernel: kernel.3.cloned.1.call-start
scs
__scs_entry_jumppad:
0x0: {  	(pc) =	sbr.rel $0x88, $3  }
0x1: {  	(tag) =	ssettag $0x0;
	lr =	simm.s32 $0x1  }
0x2: {  	[smem:$0x3F9F] =	sst lr;
	_ =	strace $0xD0000000  }
0x3: {  	_ = 	snop  }
0x4: {  	_ = 	snop  }
0x5: {  	_ = 	snop  }
0x6: {  	_ = 	snop  }
0x7: {  	_ = 	snop  }
__scs_overlays_trampoline_lowered:
0x8: {  	[smem:$0x3FAE] =	sst s0  }
0x9: {  	[smem:$0x3FAF] =	sst s1  }
0xa: {  	[smem:$0x3FB0] =	sst s2  }
0xb: {  	[smem:$0x3FB1] =	sst s3  }
0xc: {  	[smem:$0x3FB2] =	sst s4  }
0xd: {  	[smem:$0x3FB3] =	sst s5  }
0xe: {  	[smem:$0x3FB4] =	sst s6  }
0xf: {  	[smem:$0x3FB5] =	sst s7  }
0x10: {  	[smem:$0x3FB6] =	sst s8  }
0x11: {  	[smem:$0x3FB7] =	sst s9;
	s0 =	simm.s32 @!p0 $0x0  }
0x12: {  	s1 =	sld [smem:$0x3F9D];
	s0 =	simm.s32 @p0 $0x1  }
0x13: {  	[smem:$0x3FB8] =	sst s0;
	s0 =	simm.s32 @!p1 $0x0  }
0x14: {  	s2 =	sld [smem:$0x3F9C];
	s0 =	simm.s32 @p1 $0x1  }
0x15: {  	[smem:$0x3FB9] =	sst s0;
	s0 =	simm.s32 @!p2 $0x0  }
0x16: {  	s3 =	sld [smem:$0x3FDB];
	s0 =	simm.s32 @p2 $0x1  }
0x17: {  	s4 =	simm.s32 $0x1BF5;
	[smem:$0x3FBB] =	sst s0  }
0x18: {  	s0 =	sld [smem:$0x3F9E];
	_ =	swait.ge [sflag:s4], $0x0  }
0x19: {  	s7 =	sld [smem:$0x3F9F]  }
0x1a: {  	s8 =	sadd.s32 $0xFFFFE003, lr  }
0x1b: {  	s9 =	sadd.s32 $0xFFFFFEF7, lr;
	s5 =	simm.s32 $0xFFFFFFFF;
	p2 =	slt.u32 s8, $0xFFFFF086  }
0x1c: {  	p1 =	slt.u32 s9, $0xF7A;
	s5 =	simm.s32 @!p2 $0x0  }
0x1d: {  	s5 =	simm.s32 @p1 $0x1;
	p0 =	seq.s32 s7, s2  }
0x1e: {  	s7 =	smul.u32 @!p0 $0xF7A, s2;
	p2 =	seq.s32 @!p0 s5, $0x0  }
0x1f: {  	s9 =	smul.u32 $0xF7A, s1;
	s8 =	simm.s32 @!p0 $0x1BF5;
	p2 =	por !p2, p0  }
0x20: {  	[sflag:s8] =	ssyncset.s32 @!p0 $0xFFFFF086;
	s6 =	sadd.s32 @!p0 s3, s7;
	s7 =	simm.s32 @!p0 $0x108  }
0x21: {  	s3 =	sadd.s32 s3, s9;
	s6 =	sadd.s32 @!p0 $0x88, s6;
	s7 =	simm.s32 @p2 $0x1082  }
0x22: {  	[simem:s7], [sflag:s8] =	dma.local @!p0 [hbm:s6], $0xF7A  }
0x23: {  	s9 =	sor.u32 $0xD0000000, s2;
	s6 =	simm.s32 $0x108;
	_ =	swait.ge @!p0 [sflag:s8], $0x0  }
0x24: {  	s3 =	sadd.s32 $0x88, s3;
	s6 =	simm.s32 @!p1 $0x1082;
	[sflag:s4] =	ssyncset.s32 $0xFFFFF086  }
0x25: {  	[simem:s6], [sflag:s4] =	dma.local [hbm:s3], $0xF7A  }
0x26: {  	[smem:$0x3F9F] =	sst s1;
	(tag) =	ssettag s2;
	_ =	strace s9  }
0x27: {  	s1 =	sld [smem:$0x3FAF]  }
0x28: {  	s2 =	sld [smem:$0x3FB0]  }
0x29: {  	s4 =	sld [smem:$0x3FB2]  }
0x2a: {  	p0 =	seq.s32 s5, $0x0;
	s5 =	sld [smem:$0x3FB3]  }
0x2b: {  	s6 =	sld [smem:$0x3FB4]  }
0x2c: {  	s7 =	sld [smem:$0x3FB5]  }
0x2d: {  	s3 =	simm.s32 $0x108;
	s8 =	sld [smem:$0x3FB6]  }
0x2e: {  	s3 =	simm.s32 @!p0 $0x1082;
	s9 =	sld [smem:$0x3FB7]  }
0x2f: {  	lr =	sadd.s32 s0, s3;
	s0 =	sld [smem:$0x3FAE]  }
0x30: {  	s3 =	sld [smem:$0x3FB1]  }
0x31: {  	[smem:$0x3FBA] =	sst s10  }
0x32: {  	s10 =	sld [smem:$0x3FB8];
	_ =	sdelay $0x3  }
0x33: {  	p0 =	seq.s32 s10, $0x1;
	s10 =	sld [smem:$0x3FBA];
	_ =	sdelay $0x3  }
0x34: {  	[smem:$0x3FBA] =	sst s10  }
0x35: {  	s10 =	sld [smem:$0x3FB9];
	_ =	sdelay $0x3  }
0x36: {  	p1 =	seq.s32 s10, $0x1;
	s10 =	sld [smem:$0x3FBA];
	_ =	sdelay $0x3  }
0x37: {  	[smem:$0x3FBA] =	sst s10  }
0x38: {  	s10 =	sld [smem:$0x3FBB]  }
0x39: {  	_ = 	snop;
	(pc) =	sbr.ind lr, $3  }
0x3a: {  	_ = 	snop  }
0x3b: {  	_ = 	snop  }
0x3c: {  	p2 =	seq.s32 s10, $0x1;
	s10 =	sld [smem:$0x3FBA]  }
0x3d: {  	_ =	shalt  }
0x3e: {  	_ =	shalt  }
0x3f: {  	_ =	shalt  }
0x40: {  	_ =	shalt  }
0x41: {  	_ =	shalt  }
0x42: {  	_ =	shalt  }
0x43: {  	_ =	shalt  }
0x44: {  	_ =	shalt  }
0x45: {  	_ =	shalt  }
0x46: {  	_ =	shalt  }
0x47: {  	_ =	shalt  }
0x48: {  	_ =	shalt  }
0x49: {  	_ =	shalt  }
0x4a: {  	_ =	shalt  }
0x4b: {  	_ =	shalt  }
0x4c: {  	_ =	shalt  }
0x4d: {  	_ =	shalt  }
0x4e: {  	_ =	shalt  }
0x4f: {  	_ =	shalt  }
0x50: {  	_ =	shalt  }
0x51: {  	_ =	shalt  }
0x52: {  	_ =	shalt  }
0x53: {  	_ =	shalt  }
0x54: {  	_ =	shalt  }
0x55: {  	_ =	shalt  }
0x56: {  	_ =	shalt  }
0x57: {  	_ =	shalt  }
0x58: {  	_ =	shalt  }
0x59: {  	_ =	shalt  }
0x5a: {  	_ =	shalt  }
0x5b: {  	_ =	shalt  }
0x5c: {  	_ =	shalt  }
0x5d: {  	_ =	shalt  }
0x5e: {  	_ =	shalt  }
0x5f: {  	_ =	shalt  }
0x60: {  	_ =	shalt  }
0x61: {  	_ =	shalt  }
0x62: {  	_ =	shalt  }
0x63: {  	_ =	shalt  }
0x64: {  	_ =	shalt  }
0x65: {  	_ =	shalt  }
0x66: {  	_ =	shalt  }
0x67: {  	_ =	shalt  }
0x68: {  	_ =	shalt  }
0x69: {  	_ =	shalt  }
0x6a: {  	_ =	shalt  }
0x6b: {  	_ =	shalt  }
0x6c: {  	_ =	shalt  }
0x6d: {  	_ =	shalt  }
0x6e: {  	_ =	shalt  }
0x6f: {  	_ =	shalt  }
0x70: {  	_ =	shalt  }
0x71: {  	_ =	shalt  }
0x72: {  	_ =	shalt  }
0x73: {  	_ =	shalt  }
0x74: {  	_ =	shalt  }
0x75: {  	_ =	shalt  }
0x76: {  	_ =	shalt  }
0x77: {  	_ =	shalt  }
0x78: {  	_ =	shalt  }
0x79: {  	_ =	shalt  }
0x7a: {  	_ =	shalt  }
0x7b: {  	_ =	shalt  }
0x7c: {  	_ =	shalt  }
0x7d: {  	_ =	shalt  }
0x7e: {  	_ =	shalt  }
0x7f: {  	_ =	shalt  }
0x80: {  	_ =	shalt  }
0x81: {  	_ =	shalt  }
0x82: {  	_ =	shalt  }
0x83: {  	_ =	shalt  }
0x84: {  	_ =	shalt  }
0x85: {  	_ =	shalt  }
0x86: {  	_ =	shalt  }
0x87: {  	_ =	shalt  }
.Lfunc_end0:
.L_simem_size_0:
called_computation_lowered:
.L_overlay_start_0:
0x88: {  	s2 =	sld [smem:$0x3FD9]  }
0x89: {  	s3 =	sld [smem:$0x3FFE];
	_ =	sdelay $0x1  }
0x8a: {  	s1 =	srdreg.scid  }
0x8b: {  	s0 =	sand.u32 $0x1, s1  }
0x8c: {  	s17 =	sshll.u32 s0, $0xA;
	s2 =	sadd.s32 s3, s2  }
0x8d: {  	s2 =	sadd.s32 s2, s17  }
0x8e: {  	[smem:$0x3FC6] =	sst s2  }
0x8f: {  	_ = 	snop  }
0x90: {  	s2 =	sld [smem:$0x3FC8]  }
0x91: {  	s18 =	sld [smem:$0x3FD0];
	(tm) =	ssettm $0x1  }
0x92: {  	s4 =	sld [smem:$0x3FFB];
	_ =	sdelay $0x3  }
0x93: {  	_ =	strace s4  }
0x94: {  	s4 =	sld [smem:$0x3FFC];
	_ =	sdelay $0x3  }
0x95: {  	_ =	strace s4  }
0x96: {  	s4 =	sld [smem:$0x3FFD];
	_ =	sdelay $0x3  }
0x97: {  	_ =	strace s4  }
0x98: {  	_ =	strace $0x8FFFFFFF  }
0x99: {  	s19 =	sld [smem:$0x3FDB];
	_ =	sdelay $0x1  }
0x9a: {  	s5 =	simm.s32 $_scs_section_size  }
0x9b: {  	s6 =	simm.s32 $_size__tile_overlayer_lowered;
	s7 =	simm.s32 $_tile_overlayer_lowered  }
0x9c: {  	s22 =	simm.s32 $0x1BFF;
	s21 =	sshll.u32 s7, $0x1;
	s4 =	sadd.s32 s5, s19  }
0x9d: {  	s8 =	simm.s32 $0x0;
	s20 =	sshll.u32 s6, $0x1;
	s6 =	sadd.s32 s21, s4  }
0x9e: {  	[timem:s8], [sflag:s22] =	dma.local [hbm:s6], s20  }
0x9f: {  	_ =	swait.ge [sflag:s22], s20  }
0xa0: {  	s5 =	ssub.s32 $0x0, s20;
	[sflag:s22] =	ssyncset.done $0x0  }
0xa1: {  	[sflag:s22] =	ssyncadd.s32 s5;
	_ =	sdelay $0x1  }
0xa2: {  	s23 =	simm.s32 $0x1B8B  }
0xa3: {  	_ =	swait.ge [sflag:s23], $0x1  }
0xa4: {  	[sflag:s23] =	ssyncset.done $0x0  }
0xa5: {  	s25 =	simm.s32 $0x1B8E;
	s24 =	sld [smem:$0x3FFE];
	[sflag:s23] =	ssyncadd.s32 $0xFFFFFFFF  }
0xa6: {  	s26 =	simm.s32 $execute0_lowered;
	[smem:$0x3FD2] =	sst s25  }
0xa7: {  	s6 =	sshll.u32 s26, $0x1;
	_ =	strace $0x80000046;
	[dreg:$0x1] =	wrdreg $0xFFFFFFFF  }
0xa8: {  	s28 =	simm.s32 $_size_execute0_lowered;
	s4 =	sadd.s32 s4, s6;
	[dreg:$0x0] =	wrdreg $0x0  }
0xa9: {  	s6 =	sshll.u32 s28, $0x1;
	[dreg:$0x2] =	wrdreg s4  }
0xaa: {  	[dreg:$0x3] =	wrdreg s6  }
0xab: {  	[dreg:$0x4] =	wrdreg $0xC0  }
0xac: {  	_ =	task [dreg:s8], $0x5FFFF  }
0xad: {  	[dreg:$0x1] =	wrdreg $0xFFFFFFFF  }
0xae: {  	[dreg:$0x0] =	wrdreg $0x60  }
0xaf: {  	[dreg:$0x2] =	wrdreg s24  }
0xb0: {  	[dreg:$0x3] =	wrdreg s2  }
0xb1: {  	[dreg:$0x4] =	wrdreg s18  }
0xb2: {  	[dreg:$0x5] =	wrdreg $0x9  }
0xb3: {  	_ =	task.clear_ibuf [dreg:s8], $0x6FFFF;
	_ =	strace $0x90000046  }
0xb4: {  	s29 =	simm.s32 $0x9;
	_ =	strace $0x80000048  }
0xb5: {  	_ =	swait.ge [sflag:s29], $0x1  }
0xb6: {  	[sflag:s29] =	ssyncadd.s32 $0xFFFFFFFF  }
0xb7: {  	_ =	strace $0x90000048  }
0xb8: {  	_ =	sfence  }
0xb9: {  	s30 =	sld [smem:$0x0];
	_ =	sdelay $0x2  }
0xba: {  	s31 =	sshll.u32 s1, $0xD;
	s1 =	sshrl.u32 s1, $0x2  }
0xbb: {  	s3 =	sand.u32 $0x4000, s31;
	s1 =	sadd.s32 s1, s30  }
0xbc: {  	s0 =	sor.u32 s3, s0;
	s1 =	sshll.u32 s1, $0x11  }
0xbd: {  	s0 =	sor.u32 s1, s0  }
0xbe: {  	s0 =	sadd.s32 $0x8F2B, s0  }
0xbf: {  	[sflag:s0] =	ssyncadd.remote.s32 $0x1  }
0xc0: {  	_ =	sfence.sel $0xFFFF  }
0xc1: {  	[dreg:$0x0] =	wrdreg $0xFFFFFFFF;
	(pc) =	sbr.abs _section_cstart, $3  }
0xc2: {  	[dreg:$0x1] =	wrdreg $0xFFFFFFFF  }
0xc3: {  	_ =	task.clear_ibuf [dreg:s8], $0x2FFFF;
	_ =	strace $0x9FFFFFFF  }
0xc4: {  	(tm) =	ssettm $0x7FFFFFFF  }
0xc5: {  	_ =	shalt  }
tec
execute0_lowered:
.L_overlay_start_1:
0x0: {  	(tag) =	ssettag $0x1  }
0x1: {  	s0 =	rddreg [dreg:$0x0]  }
0x2: {  	s1 =	srdreg.scid;
	s2 =	rddreg [dreg:$0x1]  }
0x3: {  	s4 =	stileid.u32;
	s3 =	rddreg [dreg:$0x2]  }
0x4: {  	s11 =	simm.s32 $0x4;
	s24 =	simm.s32 $0x9080;
	s25 =	simm.s32 $0x9880  }
0x5: {  	s26 =	simm.s32 $0x9C80;
	s28 =	simm.s32 $0xA480;
	s29 =	simm.s32 $0x1  }
0x6: {  	s30 =	simm.s32 $0x3;
	s31 =	simm.s32 $0x80;
	s1 =	sand.u32 $0x1, s1  }
0x7: {  	s10 =	simm.s32 $0x0;
	s5 =	sshll.u32 s4, $0x6;
	s6 =	sshll.u32 s1, $0x5  }
0x8: {  	s4 =	simm.s32 $0x0;
	s1 =	ssub.s32 $0x2, s1;
	s5 =	sor.u32 s6, s5  }
0x9: {  	[smem:$0x7FF] =	sst s4;
	s8 =	sshrl.u32 s1, $0x1;
	s6 =	sshrl.u32 s5, $0x3  }
0xa: {  	s7 =	sshll.u32 s5, $0x4;
	s1 =	ssub.s32 s1, s8;
	s6 =	smul.u32 $0x180, s6  }
0xb: {  	v2 =	vlaneseq.u32;
	vm0 =	vmmov $0xffff;
	vm1 =	vmmov $0xff;
	_ =	strace $0x80000047;
	s7 =	sadd.s32 s7, s0;
	s9 =	smax.u32 s1, $0x1  }
0xc: {  	v3 =	vimm.f32 $0.0e+00;
	v4 =	vimm.f32 $1.959591870e+01;
	v1 =	vshrl.u32 v2, $0x3;
	s1 =	simm.s32 $0x60000;
	s0 =	sadd.s32 s6, s0;
	s6 =	sadd.s32 $0x400, s7  }
0xd: {  	v0 =	vand.u32 $0x7, v2;
	v2 =	vor.u32 $0x8, v2;
	v1 =	vmul.u32 $0x8, v1;
	s7 =	sadd.s32 $0x100, s2;
	s8 =	sadd.s32 $0x4400, s0;
	s0 =	simm.s32 $0x2  }
.LBB2_1:
0xe: {  	s12 =	simm.s32 $0x3000  }
0xf: {  	[tilespmem:s12], [sflag:$0x4] =	stream.linear.gather [hbm4b:s6+s4], $0x1000, $0x38;
	[tilespmem:$0x16880] =	vst v63  }
0x10: {  	_ =	swait.ge [sflag:s11], $0x1000  }
0x11: {  	[sflag:s11] =	ssyncset.done $0x0  }
0x12: {  	[sflag:s11] =	ssyncadd.s32 $0xFFFFF000  }
0x13: {  	v5 =	vld [tilespmem:$0x3000];
	_ =	sdelay $0x4  }
0x14: {  	v6 =	vshrl.u32 v5, $0x3  }
0x15: {  	v6 =	vmul.u32 $0x18, v6  }
0x16: {  	v5 =	vand.u32 $0x7, v5  }
0x17: {  	v5 =	vor.u32 v5, v6  }
0x18: {  	v6 =	vperm.xlane v5, v0;
	_ =	sdelay $0x1  }
0x19: {  	v6 =	vadd.s32 v1, v6;
	_ =	sdelay $0x1  }
0x1a: {  	v5 =	vperm.xlane v5, v2;
	_ =	sdelay $0x1  }
0x1b: {  	s23 =	simm.s32 $0x4880;
	v5 =	vadd.s32 v1, v5  }
0x1c: {  	[tilespmem:s23], [sflag:$0x1] =	stream.indirect_vreg.gather [hbm4b:s2+s4], $0x80, v6, vm0, $0xb8;
	[tilespmem:$0x16880] =	vst v63  }
0x1d: {  	s13 =	simm.s32 $0x5080  }
0x1e: {  	[tilespmem:s13], [sflag:$0x1] =	stream.indirect_vreg.gather [hbm4b:s7+s4], $0x80, v6, vm1, $0xb8;
	[tilespmem:$0x16880] =	vst v63  }
0x1f: {  	s14 =	simm.s32 $0x5480  }
0x20: {  	[tilespmem:s14], [sflag:$0x1] =	stream.indirect_vreg.gather [hbm4b:s2+s4], $0x80, v5, vm0, $0xb8;
	[tilespmem:$0x16880] =	vst v63  }
0x21: {  	s15 =	simm.s32 $0x5C80  }
0x22: {  	[tilespmem:s15], [sflag:$0x1] =	stream.indirect_vreg.gather [hbm4b:s7+s4], $0x80, v5, vm1, $0xb8;
	[tilespmem:$0x16880] =	vst v63  }
0x23: {  	v5 =	vld [tilespmem:$0x3010];
	_ =	sdelay $0x4  }
0x24: {  	v6 =	vshrl.u32 v5, $0x3  }
0x25: {  	v6 =	vmul.u32 $0x18, v6  }
0x26: {  	v5 =	vand.u32 $0x7, v5  }
0x27: {  	v5 =	vor.u32 v5, v6  }
0x28: {  	v6 =	vperm.xlane v5, v0;
	_ =	sdelay $0x1  }
0x29: {  	v6 =	vadd.s32 v1, v6;
	_ =	sdelay $0x1  }
0x2a: {  	v5 =	vperm.xlane v5, v2;
	_ =	sdelay $0x1  }
0x2b: {  	s16 =	simm.s32 $0x6080;
	v5 =	vadd.s32 v1, v5  }
0x2c: {  	[tilespmem:s16], [sflag:$0x1] =	stream.indirect_vreg.gather [hbm4b:s2+s4], $0x80, v6, vm0, $0xb8;
	[tilespmem:$0x16880] =	vst v63  }
0x2d: {  	s17 =	simm.s32 $0x6880  }
0x2e: {  	[tilespmem:s17], [sflag:$0x1] =	stream.indirect_vreg.gather [hbm4b:s7+s4], $0x80, v6, vm1, $0xb8;
	[tilespmem:$0x16880] =	vst v63  }
0x2f: {  	s18 =	simm.s32 $0x6C80  }
0x30: {  	[tilespmem:s18], [sflag:$0x1] =	stream.indirect_vreg.gather [hbm4b:s2+s4], $0x80, v5, vm0, $0xb8;
	[tilespmem:$0x16880] =	vst v63  }
0x31: {  	s19 =	simm.s32 $0x7480  }
0x32: {  	[tilespmem:s19], [sflag:$0x1] =	stream.indirect_vreg.gather [hbm4b:s7+s4], $0x80, v5, vm1, $0xb8;
	[tilespmem:$0x16880] =	vst v63  }
0x33: {  	v5 =	vld [tilespmem:$0x3020];
	_ =	sdelay $0x4  }
0x34: {  	v6 =	vshrl.u32 v5, $0x3  }
0x35: {  	v6 =	vmul.u32 $0x18, v6  }
0x36: {  	v5 =	vand.u32 $0x7, v5  }
0x37: {  	v5 =	vor.u32 v5, v6  }
0x38: {  	v6 =	vperm.xlane v5, v0;
	_ =	sdelay $0x1  }
0x39: {  	v6 =	vadd.s32 v1, v6;
	_ =	sdelay $0x1  }
0x3a: {  	v5 =	vperm.xlane v5, v2;
	_ =	sdelay $0x1  }
0x3b: {  	s20 =	simm.s32 $0x7880;
	v5 =	vadd.s32 v1, v5  }
0x3c: {  	[tilespmem:s20], [sflag:$0x1] =	stream.indirect_vreg.gather [hbm4b:s2+s4], $0x80, v6, vm0, $0xb8;
	[tilespmem:$0x16880] =	vst v63  }
0x3d: {  	s21 =	simm.s32 $0x8080  }
0x3e: {  	[tilespmem:s21], [sflag:$0x1] =	stream.indirect_vreg.gather [hbm4b:s7+s4], $0x80, v6, vm1, $0xb8;
	[tilespmem:$0x16880] =	vst v63  }
0x3f: {  	s22 =	simm.s32 $0x8480  }
0x40: {  	[tilespmem:s22], [sflag:$0x1] =	stream.indirect_vreg.gather [hbm4b:s2+s4], $0x80, v5, vm0, $0xb8;
	[tilespmem:$0x16880] =	vst v63  }
0x41: {  	s23 =	simm.s32 $0x8C80  }
0x42: {  	[tilespmem:s23], [sflag:$0x1] =	stream.indirect_vreg.gather [hbm4b:s7+s4], $0x80, v5, vm1, $0xb8;
	[tilespmem:$0x16880] =	vst v63  }
0x43: {  	v5 =	vld [tilespmem:$0x3030];
	_ =	sdelay $0x4  }
0x44: {  	v6 =	vshrl.u32 v5, $0x3  }
0x45: {  	v6 =	vmul.u32 $0x18, v6  }
0x46: {  	v5 =	vand.u32 $0x7, v5  }
0x47: {  	v5 =	vor.u32 v5, v6  }
0x48: {  	v6 =	vperm.xlane v5, v0;
	_ =	sdelay $0x1  }
0x49: {  	v6 =	vadd.s32 v1, v6;
	_ =	sdelay $0x1  }
0x4a: {  	v5 =	vperm.xlane v5, v2;
	_ =	sdelay $0x1  }
0x4b: {  	v5 =	vadd.s32 v1, v5  }
0x4c: {  	[tilespmem:s24], [sflag:$0x1] =	stream.indirect_vreg.gather [hbm4b:s2+s4], $0x80, v6, vm0, $0xb8;
	[tilespmem:$0x16880] =	vst v63  }
0x4d: {  	_ = 	snop  }
0x4e: {  	[tilespmem:s25], [sflag:$0x1] =	stream.indirect_vreg.gather [hbm4b:s7+s4], $0x80, v6, vm1, $0xb8;
	[tilespmem:$0x16880] =	vst v63  }
0x4f: {  	_ = 	snop  }
0x50: {  	[tilespmem:s26], [sflag:$0x1] =	stream.indirect_vreg.gather [hbm4b:s2+s4], $0x80, v5, vm0, $0xb8;
	[tilespmem:$0x16880] =	vst v63  }
0x51: {  	_ = 	snop  }
0x52: {  	[tilespmem:s28], [sflag:$0x1] =	stream.indirect_vreg.gather [hbm4b:s7+s4], $0x80, v5, vm1, $0xb8;
	[tilespmem:$0x16880] =	vst v63  }
0x53: {  	_ = 	snop  }
0x54: {  	[tilespmem:s4], [sflag:$0x4] =	stream.linear.gather [hbm4b:s8+s4], $0x3000, $0x38;
	[tilespmem:$0x16880] =	vst v63  }
0x55: {  	_ =	swait.ge [sflag:s11], $0x3000  }
0x56: {  	[sflag:s11] =	ssyncset.done $0x0  }
0x57: {  	[sflag:s11] =	ssyncadd.s32 $0xFFFFD000  }
0x58: {  	s13 =	simm.s32 $0x0;
	[tilespmem:$0x4800] =	vst v3  }
0x59: {  	v5 =	vld [tilespmem:s13+$0x3000];
	_ =	sdelay $0x4  }
0x5a: {  	vm2 =	veq.s32 v5, $0xC451  }
0x5b: {  	s12 =	simm.s32 $0x4020;
	v5 =	vsel vm2, $0x0, v4  }
0x5c: {  	[tilespmem:s12+$0xFFFFFFE0] =	vst v5  }
0x5d: {  	v5 =	vld [tilespmem:s13+$0x3010];
	_ =	sdelay $0x4  }
0x5e: {  	vm2 =	veq.s32 v5, $0xC451  }
0x5f: {  	v5 =	vsel vm2, $0x0, v4  }
0x60: {  	[tilespmem:s12+$0xFFFFFFF0] =	vst v5  }
0x61: {  	v5 =	vld [tilespmem:s13+$0x3020];
	_ =	sdelay $0x4  }
0x62: {  	vm2 =	veq.s32 v5, $0xC451  }
0x63: {  	v5 =	vsel vm2, $0x0, v4  }
0x64: {  	[tilespmem:s12+$0x0] =	vst v5  }
0x65: {  	v5 =	vld [tilespmem:s13+$0x3030];
	_ =	sdelay $0x4  }
0x66: {  	vm2 =	veq.s32 v5, $0xC451  }
0x67: {  	v5 =	vsel vm2, $0x0, v4  }
0x68: {  	s14 =	simm.s32 $0x400;
	s13 =	simm.s32 $0x80;
	[tilespmem:s12+$0x10] =	vst v5  }
.LBB2_2:
0x69: {  	p0 =	sne.s32 s14, $0x3E00;
	v5 =	vld [tilespmem:s13+$0x3000];
	_ =	sdelay $0x4  }
0x6a: {  	vm2 =	veq.s32 v5, $0xC451  }
0x6b: {  	s12 =	sadd.s32 $0x40, s12;
	v5 =	vsel vm2, $0x0, v4  }
0x6c: {  	[tilespmem:s12+$0xFFFFFFE0] =	vst v5  }
0x6d: {  	v5 =	vld [tilespmem:s13+$0x3010];
	_ =	sdelay $0x4  }
0x6e: {  	vm2 =	veq.s32 v5, $0xC451  }
0x6f: {  	v5 =	vsel vm2, $0x0, v4  }
0x70: {  	[tilespmem:s12+$0xFFFFFFF0] =	vst v5  }
0x71: {  	v5 =	vld [tilespmem:s13+$0x3020];
	_ =	sdelay $0x4  }
0x72: {  	vm2 =	veq.s32 v5, $0xC451  }
0x73: {  	v5 =	vsel vm2, $0x0, v4  }
0x74: {  	[tilespmem:s12+$0x0] =	vst v5  }
0x75: {  	v5 =	vld [tilespmem:s13+$0x3030];
	_ =	sdelay $0x2  }
.Ltmp0:
0x76: {  	(pc) =	sbr.rel @p0 .LBB2_2-.Ltmp0, $4  }
0x77: {  	_ = 	snop  }
0x78: {  	vm2 =	veq.s32 v5, $0xC451  }
0x79: {  	v5 =	vsel vm2, $0x0, v4  }
0x7a: {  	s13 =	sshra.s32 s14, $0x2;
	s14 =	sadd.s32 $0x200, s14;
	[tilespmem:s12+$0x10] =	vst v5  }
0x7b: {  	v5 =	vld [tilespmem:s13+$0x3000];
	_ =	sdelay $0x4  }
0x7c: {  	vm2 =	veq.s32 v5, $0xC451  }
0x7d: {  	s12 =	sadd.s32 $0x40, s12;
	v5 =	vsel vm2, $0x0, v4  }
0x7e: {  	[tilespmem:s12+$0xFFFFFFE0] =	vst v5  }
0x7f: {  	v5 =	vld [tilespmem:s13+$0x3010];
	_ =	sdelay $0x4  }
0x80: {  	vm2 =	veq.s32 v5, $0xC451  }
0x81: {  	v5 =	vsel vm2, $0x0, v4  }
0x82: {  	[tilespmem:s12+$0xFFFFFFF0] =	vst v5  }
0x83: {  	v5 =	vld [tilespmem:s13+$0x3020];
	_ =	sdelay $0x4  }
0x84: {  	vm2 =	veq.s32 v5, $0xC451  }
0x85: {  	v5 =	vsel vm2, $0x0, v4  }
0x86: {  	[tilespmem:s12+$0x0] =	vst v5  }
0x87: {  	v5 =	vld [tilespmem:s13+$0x3030];
	_ =	sdelay $0x4  }
0x88: {  	vm2 =	veq.s32 v5, $0xC451  }
0x89: {  	v5 =	vsel vm2, $0x0, v4  }
0x8a: {  	s21 =	simm.s32 $0x4000;
	s13 =	simm.s32 $0x0;
	[tilespmem:s12+$0x10] =	vst v5  }
.LBB2_4:
0x8b: {  	p0 =	slt.u32 s13, $0x2  }
0x8c: {  	s12 =	sand.u32 @!p0 $0x1, s13  }
0x8d: {  	p1 =	seq.s32 @!p0 s12, $0x1  }
0x8e: {  	s15 =	simm.s32 @!p0 $0x3;
	p1 =	por !p1, p0  }
0x8f: {  	s15 =	simm.s32 @p1 $0x2;
	p1 =	seq.s32 @!p0 s13, $0x1F  }
0x90: {  	_ =	swait.ge [sflag:s29], $0x6000;
	p1 =	por p0, !p1  }
.Ltmp1:
0x91: {  	[sflag:s29] =	ssyncset.done $0x0;
	(pc) =	sbr.rel @!p1 .LBB2_6-.Ltmp1, $4  }
0x92: {  	[sflag:s29] =	ssyncadd.s32 $0xFFFFA000  }
0x93: {  	_ =	swait.ge @!p0 [sflag:s15], $0x6000  }
0x94: {  	[sflag:s15] =	ssyncset.done @!p0 $0x0  }
0x95: {  	s14 =	sadd.s32 $0x1, s13;
	s12 =	smul.u32 $0xAB, s13;
	[sflag:s15] =	ssyncadd.s32 @!p0 $0xFFFFA000  }
0x96: {  	s15 =	sshll.u32 s14, $0x7  }
0x97: {  	s15 =	sand.u32 $0x3FFFFF80, s15  }
0x98: {  	v5 =	vld [tilespmem:s15+$0x3000];
	_ =	sdelay $0x4  }
0x99: {  	s16 =	sadd.s32 $0xAB, s12;
	v6 =	vshrl.u32 v5, $0x3  }
0x9a: {  	s16 =	sshrl.u32 s16, $0x9;
	v6 =	vmul.u32 $0x18, v6  }
0x9b: {  	s16 =	sand.u32 $0x7F, s16;
	v5 =	vand.u32 $0x7, v5  }
0x9c: {  	s16 =	smul.u32 $0x3, s16;
	v5 =	vor.u32 v5, v6  }
0x9d: {  	v6 =	vperm.xlane v5, v0  }
0x9e: {  	s16 =	ssub.s32 s14, s16  }
0x9f: {  	s16 =	sand.u32 $0xFF, s16;
	v6 =	vadd.s32 v1, v6  }
0xa0: {  	s16 =	smul.u32 $0x18000, s16  }
0xa1: {  	v5 =	vperm.xlane v5, v2  }
0xa2: {  	s16 =	sshrl.u32 s16, $0x2  }
0xa3: {  	s17 =	sadd.s32 $0x4880, s16;
	v5 =	vadd.s32 v1, v5  }
0xa4: {  	[tilespmem:s17], [sflag:$0x1] =	stream.indirect_vreg.gather [hbm4b:s2+s4], $0x80, v6, vm0, $0xb8;
	[tilespmem:$0x16880] =	vst v63  }
0xa5: {  	s18 =	sadd.s32 $0x5080, s16  }
0xa6: {  	[tilespmem:s18], [sflag:$0x1] =	stream.indirect_vreg.gather [hbm4b:s7+s4], $0x80, v6, vm1, $0xb8;
	[tilespmem:$0x16880] =	vst v63  }
0xa7: {  	s19 =	sadd.s32 $0x5480, s16  }
0xa8: {  	[tilespmem:s19], [sflag:$0x1] =	stream.indirect_vreg.gather [hbm4b:s2+s4], $0x80, v5, vm0, $0xb8;
	[tilespmem:$0x16880] =	vst v63  }
0xa9: {  	s20 =	sadd.s32 $0x5C80, s16  }
0xaa: {  	[tilespmem:s20], [sflag:$0x1] =	stream.indirect_vreg.gather [hbm4b:s7+s4], $0x80, v5, vm1, $0xb8;
	[tilespmem:$0x16880] =	vst v63  }
0xab: {  	v5 =	vld [tilespmem:s15+$0x3010];
	_ =	sdelay $0x4  }
0xac: {  	v6 =	vshrl.u32 v5, $0x3  }
0xad: {  	v6 =	vmul.u32 $0x18, v6  }
0xae: {  	v5 =	vand.u32 $0x7, v5  }
0xaf: {  	v5 =	vor.u32 v5, v6  }
0xb0: {  	v6 =	vperm.xlane v5, v0;
	_ =	sdelay $0x1  }
0xb1: {  	v6 =	vadd.s32 v1, v6;
	_ =	sdelay $0x1  }
0xb2: {  	v5 =	vperm.xlane v5, v2;
	_ =	sdelay $0x1  }
0xb3: {  	s22 =	sadd.s32 $0x6080, s16;
	v5 =	vadd.s32 v1, v5  }
0xb4: {  	[tilespmem:s22], [sflag:$0x1] =	stream.indirect_vreg.gather [hbm4b:s2+s4], $0x80, v6, vm0, $0xb8;
	[tilespmem:$0x16880] =	vst v63  }
0xb5: {  	s23 =	sadd.s32 $0x6880, s16  }
0xb6: {  	[tilespmem:s23], [sflag:$0x1] =	stream.indirect_vreg.gather [hbm4b:s7+s4], $0x80, v6, vm1, $0xb8;
	[tilespmem:$0x16880] =	vst v63  }
0xb7: {  	s18 =	sadd.s32 $0x6C80, s16  }
0xb8: {  	[tilespmem:s18], [sflag:$0x1] =	stream.indirect_vreg.gather [hbm4b:s2+s4], $0x80, v5, vm0, $0xb8;
	[tilespmem:$0x16880] =	vst v63  }
0xb9: {  	s19 =	sadd.s32 $0x7480, s16  }
0xba: {  	[tilespmem:s19], [sflag:$0x1] =	stream.indirect_vreg.gather [hbm4b:s7+s4], $0x80, v5, vm1, $0xb8;
	[tilespmem:$0x16880] =	vst v63  }
0xbb: {  	v5 =	vld [tilespmem:s15+$0x3020];
	_ =	sdelay $0x4  }
0xbc: {  	v6 =	vshrl.u32 v5, $0x3  }
0xbd: {  	v6 =	vmul.u32 $0x18, v6  }
0xbe: {  	v5 =	vand.u32 $0x7, v5  }
0xbf: {  	v5 =	vor.u32 v5, v6  }
0xc0: {  	v6 =	vperm.xlane v5, v0;
	_ =	sdelay $0x1  }
0xc1: {  	v6 =	vadd.s32 v1, v6;
	_ =	sdelay $0x1  }
0xc2: {  	v5 =	vperm.xlane v5, v2;
	_ =	sdelay $0x1  }
0xc3: {  	s20 =	sadd.s32 $0x7880, s16;
	v5 =	vadd.s32 v1, v5  }
0xc4: {  	[tilespmem:s20], [sflag:$0x1] =	stream.indirect_vreg.gather [hbm4b:s2+s4], $0x80, v6, vm0, $0xb8;
	[tilespmem:$0x16880] =	vst v63  }
0xc5: {  	s22 =	sadd.s32 $0x8080, s16  }
0xc6: {  	[tilespmem:s22], [sflag:$0x1] =	stream.indirect_vreg.gather [hbm4b:s7+s4], $0x80, v6, vm1, $0xb8;
	[tilespmem:$0x16880] =	vst v63  }
0xc7: {  	s23 =	sadd.s32 $0x8480, s16  }
0xc8: {  	[tilespmem:s23], [sflag:$0x1] =	stream.indirect_vreg.gather [hbm4b:s2+s4], $0x80, v5, vm0, $0xb8;
	[tilespmem:$0x16880] =	vst v63  }
0xc9: {  	s18 =	sadd.s32 $0x8C80, s16  }
0xca: {  	[tilespmem:s18], [sflag:$0x1] =	stream.indirect_vreg.gather [hbm4b:s7+s4], $0x80, v5, vm1, $0xb8;
	[tilespmem:$0x16880] =	vst v63  }
0xcb: {  	v5 =	vld [tilespmem:s15+$0x3030];
	_ =	sdelay $0x4  }
0xcc: {  	v6 =	vshrl.u32 v5, $0x3  }
0xcd: {  	v6 =	vmul.u32 $0x18, v6  }
0xce: {  	v5 =	vand.u32 $0x7, v5  }
0xcf: {  	v5 =	vor.u32 v5, v6  }
0xd0: {  	v6 =	vperm.xlane v5, v0;
	_ =	sdelay $0x1  }
0xd1: {  	v6 =	vadd.s32 v1, v6;
	_ =	sdelay $0x1  }
0xd2: {  	v5 =	vperm.xlane v5, v2;
	_ =	sdelay $0x1  }
0xd3: {  	s19 =	sadd.s32 $0x9080, s16;
	v5 =	vadd.s32 v1, v5  }
0xd4: {  	[tilespmem:s19], [sflag:$0x1] =	stream.indirect_vreg.gather [hbm4b:s2+s4], $0x80, v6, vm0, $0xb8;
	[tilespmem:$0x16880] =	vst v63  }
0xd5: {  	s20 =	sadd.s32 $0x9880, s16  }
0xd6: {  	[tilespmem:s20], [sflag:$0x1] =	stream.indirect_vreg.gather [hbm4b:s7+s4], $0x80, v6, vm1, $0xb8;
	[tilespmem:$0x16880] =	vst v63  }
0xd7: {  	s22 =	sadd.s32 $0x9C80, s16  }
0xd8: {  	[tilespmem:s22], [sflag:$0x1] =	stream.indirect_vreg.gather [hbm4b:s2+s4], $0x80, v5, vm0, $0xb8;
	[tilespmem:$0x16880] =	vst v63  }
0xd9: {  	s23 =	sadd.s32 $0xA480, s16  }
0xda: {  	[tilespmem:s23], [sflag:$0x1] =	stream.indirect_vreg.gather [hbm4b:s7+s4], $0x80, v5, vm1, $0xb8;
	[tilespmem:$0x16880] =	vst v63  }
.LBB2_6:
0xdb: {  	s15 =	sshrl.u32 s13, $0x3  }
0xdc: {  	s15 =	smul.u32 $0x3000, s15  }
0xdd: {  	s16 =	sshll.u32 s13, $0x7  }
0xde: {  	s16 =	sand.u32 $0x380, s16;
	s15 =	sshra.s32 s15, $0x2  }
0xdf: {  	s18 =	sor.u32 s16, s15  }
0xe0: {  	v25 =	vld [tilespmem:s18+$0x0]  }
0xe1: {  	v9 =	vld [tilespmem:s18+$0x10]  }
0xe2: {  	v19 =	vld [tilespmem:s18+$0x20]  }
0xe3: {  	v7 =	vld [tilespmem:s18+$0x30]  }
0xe4: {  	v6 =	vld [tilespmem:s18+$0x40]  }
0xe5: {  	v12 =	vld [tilespmem:s18+$0x50]  }
0xe6: {  	v5 =	vld [tilespmem:s18+$0x60]  }
0xe7: {  	v11 =	vld [tilespmem:s18+$0x70]  }
0xe8: {  	v8 =	vld [tilespmem:s18+$0x400]  }
0xe9: {  	v21 =	vld [tilespmem:s18+$0x410]  }
0xea: {  	v17 =	vld [tilespmem:s18+$0x420]  }
0xeb: {  	v10 =	vld [tilespmem:s18+$0x430]  }
0xec: {  	s12 =	sshrl.u32 s12, $0x9;
	v18 =	vld [tilespmem:s18+$0x440]  }
0xed: {  	s12 =	sand.u32 $0x7F, s12;
	v23 =	vld [tilespmem:s18+$0x450]  }
0xee: {  	s12 =	smul.u32 $0x3, s12;
	v27 =	vld [tilespmem:s18+$0x460]  }
0xef: {  	v26 =	vld [tilespmem:s18+$0x470]  }
0xf0: {  	s12 =	ssub.s32 s13, s12;
	v16 =	vld [tilespmem:s18+$0x800]  }
0xf1: {  	v13 =	vld [tilespmem:s18+$0x810];
	s12 =	sand.u32 $0xFF, s12  }
0xf2: {  	s20 =	simm.s32 $0x0;
	v15 =	vld [tilespmem:s18+$0x820];
	s12 =	smul.u32 $0x18000, s12  }
0xf3: {  	s20 =	smul.u32 $0x3000, s20;
	v20 =	vld [tilespmem:s18+$0x830]  }
0xf4: {  	v24 =	vld [tilespmem:s18+$0x840];
	s15 =	sshrl.u32 s12, $0x2  }
0xf5: {  	s19 =	simm.s32 $0x0;
	s22 =	sshra.s32 s20, $0x2;
	v14 =	vld [tilespmem:s18+$0x850];
	s17 =	sadd.s32 $0x4880, s15  }
0xf6: {  	s23 =	sand.u32 $0x380, s19;
	v22 =	vld [tilespmem:s18+$0x860];
	s12 =	sadd.s32 s22, s17  }
0xf7: {  	v30 =	vld [tilespmem:s18+$0x870];
	s18 =	sadd.s32 s23, s12  }
0xf8: {  	v33 =	vld [tilespmem:s18+$0x470]  }
0xf9: {  	v32 =	vld [tilespmem:s18+$0x410]  }
0xfa: {  	v36 =	vld [tilespmem:s18+$0x870]  }
0xfb: {  	v28 =	vld [tilespmem:s18+$0x50]  }
0xfc: {  	v31 =	vld [tilespmem:s18+$0x840]  }
0xfd: {  	v29 =	vld [tilespmem:s18+$0x850]  }
0xfe: {  	v37 =	vld [tilespmem:s18+$0x0]  }
0xff: {  	v35 =	vld [tilespmem:s18+$0x860]  }
0x100: {  	s20 =	simm.s32 $0x1;
	s12 =	smov.u32 s21;
	v34 =	vld [tilespmem:s18+$0x820]  }
.LBB2_7:
0x101: {  	p0 =	sne.s32 s20, $0x3F;
	v38 =	vld.msk [tilespmem:s12+$0x0 ss:$0x0], $0xffff;
	s19 =	sadd.s32 $0x80, s19;
	s12 =	sadd.s32 $0x1, s12  }
0x102: {  	s22 =	smov.u32 s20;
	s20 =	sadd.s32 $0x1, s20;
	v39 =	vld [tilespmem:s18+$0x460]  }
0x103: {  	v36 =	vadd.f32 v36, v30;
	v40 =	vld [tilespmem:s18+$0x800]  }
0x104: {  	v41 =	vld [tilespmem:s18+$0x20];
	v35 =	vadd.f32 v35, v22  }
0x105: {  	v37 =	vadd.f32 v37, v25;
	v42 =	vld [tilespmem:s18+$0x440];
	v34 =	vadd.f32 v34, v15  }
0x106: {  	v43 =	vld [tilespmem:s18+$0x450]  }
0x107: {  	v37 =	vmul.f32 v37, v38;
	v36 =	vmul.f32 v36, v38;
	v44 =	vld [tilespmem:s18+$0x420];
	v39 =	vadd.f32 v39, v27  }
0x108: {  	v33 =	vadd.f32 v33, v26;
	v35 =	vmul.f32 v35, v38;
	v45 =	vld [tilespmem:s18+$0x430];
	v40 =	vadd.f32 v40, v16  }
0x109: {  	v34 =	vmul.f32 v34, v38;
	v41 =	vadd.f32 v41, v19;
	v46 =	vld [tilespmem:s18+$0x400];
	v39 =	vmul.f32 v39, v38;
	[tilespmem:s18+$0x870] =	vst v36  }
0x10a: {  	v32 =	vadd.f32 v32, v21;
	v33 =	vmul.f32 v33, v38;
	[tilespmem:s18+$0x0] =	vst v37;
	v36 =	vadd.f32 v42, v18;
	v37 =	vld [tilespmem:s18+$0x830]  }
0x10b: {  	v41 =	vmul.f32 v41, v38;
	v42 =	vadd.f32 v43, v23;
	[tilespmem:s18+$0x460] =	vst v39;
	v39 =	vmul.f32 v40, v38;
	v40 =	vld [tilespmem:s18+$0x810]  }
0x10c: {  	v32 =	vmul.f32 v32, v38;
	v43 =	vld [tilespmem:s18+$0x10];
	v44 =	vadd.f32 v44, v17;
	v36 =	vmul.f32 v36, v38;
	[tilespmem:s18+$0x470] =	vst v33  }
0x10d: {  	[tilespmem:s18+$0x20] =	vst v41;
	v33 =	vld [tilespmem:s18+$0x40];
	v41 =	vadd.f32 v45, v10;
	v42 =	vmul.f32 v42, v38  }
0x10e: {  	v31 =	vadd.f32 v31, v24;
	v45 =	vld [tilespmem:s18+$0x60];
	v46 =	vadd.f32 v46, v8;
	[tilespmem:s18+$0x410] =	vst v32;
	v32 =	vmul.f32 v44, v38  }
0x10f: {  	v44 =	vld [tilespmem:s18+$0x70];
	v41 =	vmul.f32 v41, v38;
	[tilespmem:s18+$0x450] =	vst v42;
	v37 =	vadd.f32 v37, v20  }
0x110: {  	v31 =	vmul.f32 v31, v38;
	[tilespmem:s18+$0x420] =	vst v32;
	v32 =	vadd.f32 v40, v13  }
0x111: {  	v42 =	vmul.f32 v46, v38;
	v40 =	vld [tilespmem:s18+$0x30];
	[tilespmem:s18+$0x440] =	vst v36;
	v36 =	vmul.f32 v37, v38  }
0x112: {  	s22 =	sshrl.u32 s22, $0x3;
	v37 =	vadd.f32 v43, v9;
	v43 =	vmul.f32 v32, v38;
	[tilespmem:s18+$0x840] =	vst v31  }
0x113: {  	v28 =	vadd.f32 v28, v12;
	v29 =	vadd.f32 v29, v14;
	s22 =	smul.u32 $0x3000, s22;
	[tilespmem:s18+$0x830] =	vst v36  }
0x114: {  	v31 =	vadd.f32 v45, v5;
	v32 =	vadd.f32 v44, v11;
	[tilespmem:s18+$0x800] =	vst v39  }
0x115: {  	s22 =	sshra.s32 s22, $0x2;
	v28 =	vmul.f32 v28, v38;
	v29 =	vmul.f32 v29, v38;
	v33 =	vadd.f32 v33, v6;
	[tilespmem:s18+$0x860] =	vst v35  }
0x116: {  	s23 =	sand.u32 $0x380, s19;
	s22 =	sadd.s32 s22, s17;
	v39 =	vmul.f32 v31, v38;
	v35 =	vadd.f32 v40, v7;
	v31 =	vmul.f32 v32, v38;
	[tilespmem:s18+$0x820] =	vst v34  }
0x117: {  	s22 =	sadd.s32 s23, s22;
	v34 =	vmul.f32 v37, v38;
	v40 =	vmul.f32 v33, v38;
	[tilespmem:s18+$0x50] =	vst v28  }
0x118: {  	v33 =	vld [tilespmem:s22+$0x470];
	v35 =	vmul.f32 v35, v38;
	[tilespmem:s18+$0x850] =	vst v29  }
0x119: {  	v32 =	vld [tilespmem:s22+$0x410];
	[tilespmem:s18+$0x10] =	vst v34  }
0x11a: {  	v36 =	vld [tilespmem:s22+$0x870];
	[tilespmem:s18+$0x70] =	vst v31  }
0x11b: {  	v28 =	vld [tilespmem:s22+$0x50];
	[tilespmem:s18+$0x810] =	vst v43  }
.Ltmp2:
0x11c: {  	v31 =	vld [tilespmem:s22+$0x840];
	[tilespmem:s18+$0x430] =	vst v41;
	(pc) =	sbr.rel @p0 .LBB2_7-.Ltmp2, $4  }
0x11d: {  	v29 =	vld [tilespmem:s22+$0x850];
	[tilespmem:s18+$0x400] =	vst v42  }
0x11e: {  	v37 =	vld [tilespmem:s22+$0x0];
	[tilespmem:s18+$0x30] =	vst v35  }
0x11f: {  	v35 =	vld [tilespmem:s22+$0x860];
	[tilespmem:s18+$0x40] =	vst v40  }
0x120: {  	v34 =	vld [tilespmem:s22+$0x820];
	[tilespmem:s18+$0x60] =	vst v39;
	s18 =	smov.u32 s22  }
0x121: {  	v38 =	vld.msk [tilespmem:s12+$0x0 ss:$0x0], $0xffff;
	_ =	sdelay $0x2  }
0x122: {  	v30 =	vadd.f32 v36, v30  }
0x123: {  	v25 =	vadd.f32 v37, v25  }
0x124: {  	v26 =	vadd.f32 v33, v26;
	v30 =	vmul.f32 v30, v38  }
0x125: {  	v21 =	vadd.f32 v32, v21;
	v25 =	vmul.f32 v25, v38  }
0x126: {  	v39 =	vld [tilespmem:s18+$0x460];
	v51 =	vadd.f32 v31, v24;
	v45 =	vmul.f32 v26, v38;
	[tilespmem:s18+$0x870] =	vst v30  }
0x127: {  	v40 =	vld [tilespmem:s18+$0x20];
	v55 =	vadd.f32 v35, v22;
	v21 =	vmul.f32 v21, v38;
	[tilespmem:s18+$0x0] =	vst v25  }
0x128: {  	v63 =	vld [tilespmem:s18+$0x450];
	v12 =	vadd.f32 v28, v12;
	v54 =	vmul.f32 v51, v38;
	[tilespmem:s18+$0x470] =	vst v45  }
0x129: {  	v42 =	vld [tilespmem:s18+$0x420];
	v14 =	vadd.f32 v29, v14;
	v58 =	vmul.f32 v55, v38;
	[tilespmem:s18+$0x410] =	vst v21  }
0x12a: {  	v43 =	vld [tilespmem:s18+$0x440];
	v15 =	vadd.f32 v34, v15;
	v12 =	vmul.f32 v12, v38;
	[tilespmem:s18+$0x840] =	vst v54  }
0x12b: {  	v46 =	vld [tilespmem:s18+$0x830];
	v27 =	vadd.f32 v39, v27;
	v14 =	vmul.f32 v14, v38;
	[tilespmem:s18+$0x860] =	vst v58  }
0x12c: {  	v47 =	vld [tilespmem:s18+$0x800];
	v19 =	vadd.f32 v40, v19;
	v15 =	vmul.f32 v15, v38;
	[tilespmem:s18+$0x50] =	vst v12  }
0x12d: {  	v48 =	vld [tilespmem:s18+$0x10];
	v23 =	vadd.f32 v63, v23;
	v27 =	vmul.f32 v27, v38;
	[tilespmem:s18+$0x850] =	vst v14  }
0x12e: {  	v56 =	vld [tilespmem:s18+$0x70];
	v17 =	vadd.f32 v42, v17;
	v19 =	vmul.f32 v19, v38;
	[tilespmem:s18+$0x820] =	vst v15  }
0x12f: {  	v53 =	vld [tilespmem:s18+$0x810];
	v18 =	vadd.f32 v43, v18;
	v50 =	vmul.f32 v23, v38;
	[tilespmem:s18+$0x460] =	vst v27  }
0x130: {  	v44 =	vld [tilespmem:s18+$0x430];
	v52 =	vadd.f32 v46, v20;
	v17 =	vmul.f32 v17, v38;
	[tilespmem:s18+$0x20] =	vst v19  }
0x131: {  	v49 =	vld [tilespmem:s18+$0x400];
	v16 =	vadd.f32 v47, v16;
	v18 =	vmul.f32 v18, v38;
	[tilespmem:s18+$0x450] =	vst v50  }
0x132: {  	v60 =	vld [tilespmem:s18+$0x30];
	v9 =	vadd.f32 v48, v9;
	v57 =	vmul.f32 v52, v38;
	[tilespmem:s18+$0x420] =	vst v17  }
0x133: {  	v59 =	vld [tilespmem:s18+$0x40];
	v11 =	vadd.f32 v56, v11;
	v16 =	vmul.f32 v16, v38;
	[tilespmem:s18+$0x440] =	vst v18  }
0x134: {  	v61 =	vld [tilespmem:s18+$0x60];
	v13 =	vadd.f32 v53, v13;
	v9 =	vmul.f32 v9, v38;
	[tilespmem:s18+$0x830] =	vst v57  }
0x135: {  	v10 =	vadd.f32 v44, v10;
	v11 =	vmul.f32 v11, v38;
	[tilespmem:s18+$0x800] =	vst v16  }
0x136: {  	v8 =	vadd.f32 v49, v8;
	v62 =	vmul.f32 v13, v38;
	[tilespmem:s18+$0x10] =	vst v9  }
0x137: {  	s23 =	sor.u32 s5, s13;
	v7 =	vadd.f32 v60, v7;
	v63 =	vmul.f32 v10, v38;
	[tilespmem:s18+$0x70] =	vst v11  }
0x138: {  	s12 =	sshrl.u32 s23, $0x3;
	v6 =	vadd.f32 v59, v6;
	v8 =	vmul.f32 v8, v38;
	[tilespmem:s18+$0x810] =	vst v62  }
0x139: {  	s12 =	smul.u32 $0xC00, s12;
	v5 =	vadd.f32 v61, v5;
	v7 =	vmul.f32 v7, v38;
	[tilespmem:s18+$0x430] =	vst v63  }
0x13a: {  	v6 =	vmul.f32 v6, v38;
	[tilespmem:s18+$0x400] =	vst v8  }
0x13b: {  	s19 =	sand.u32 $0x1, s13;
	s12 =	sor.u32 s16, s12;
	v5 =	vmul.f32 v5, v38;
	[tilespmem:s18+$0x30] =	vst v7  }
0x13c: {  	p0 =	seq.s32 s19, $0x1;
	s20 =	sshrl.u32 s12, $0x3;
	s12 =	simm.s32 $0x3;
	[tilespmem:s18+$0x40] =	vst v6  }
0x13d: {  	s13 =	sadd.s32 s3, s20;
	s12 =	simm.s32 @!p0 $0x2;
	[tilespmem:s18+$0x60] =	vst v5  }
0x13e: {  	[hbm4b:s13+s31] =	stream.strided.scatter [tilespmem:s17], [sflag:s12], $0x400, s1, s31, $0x38;
	[tilespmem:$0x16880] =	vst v63  }
0x13f: {  	s22 =	sadd.s32 $0x4C80, s15;
	s23 =	sadd.s32 $0x80, s13  }
0x140: {  	[hbm4b:s23+s31] =	stream.strided.scatter [tilespmem:s22], [sflag:s12], $0x400, s1, s31, $0x38;
	[tilespmem:$0x16880] =	vst v63  }
0x141: {  	s18 =	sadd.s32 $0x100, s13;
	s17 =	sadd.s32 $0x5080, s15  }
0x142: {  	[hbm4b:s18+s31] =	stream.strided.scatter [tilespmem:s17], [sflag:s12], $0x400, s1, s31, $0x38;
	[tilespmem:$0x16880] =	vst v63  }
0x143: {  	s19 =	sadd.s32 $0x5480, s15;
	s20 =	sadd.s32 $0x60000, s13  }
0x144: {  	[hbm4b:s20+s31] =	stream.strided.scatter [tilespmem:s19], [sflag:s12], $0x400, s1, s31, $0x38;
	[tilespmem:$0x16880] =	vst v63  }
0x145: {  	s22 =	sadd.s32 $0x5880, s15;
	s23 =	sadd.s32 $0x80, s20  }
0x146: {  	[hbm4b:s23+s31] =	stream.strided.scatter [tilespmem:s22], [sflag:s12], $0x400, s1, s31, $0x38;
	[tilespmem:$0x16880] =	vst v63  }
0x147: {  	s18 =	sadd.s32 $0x5C80, s15;
	s17 =	sadd.s32 $0x100, s20  }
0x148: {  	[hbm4b:s17+s31] =	stream.strided.scatter [tilespmem:s18], [sflag:s12], $0x400, s1, s31, $0x38;
	[tilespmem:$0x16880] =	vst v63  }
0x149: {  	s19 =	sadd.s32 $0x6080, s15;
	s20 =	sadd.s32 $0xC0000, s13  }
0x14a: {  	[hbm4b:s20+s31] =	stream.strided.scatter [tilespmem:s19], [sflag:s12], $0x400, s1, s31, $0x38;
	[tilespmem:$0x16880] =	vst v63  }
0x14b: {  	s22 =	sadd.s32 $0x6480, s15;
	s23 =	sadd.s32 $0x80, s20  }
0x14c: {  	[hbm4b:s23+s31] =	stream.strided.scatter [tilespmem:s22], [sflag:s12], $0x400, s1, s31, $0x38;
	[tilespmem:$0x16880] =	vst v63  }
0x14d: {  	s18 =	sadd.s32 $0x6880, s15;
	s17 =	sadd.s32 $0x100, s20  }
0x14e: {  	[hbm4b:s17+s31] =	stream.strided.scatter [tilespmem:s18], [sflag:s12], $0x400, s1, s31, $0x38;
	[tilespmem:$0x16880] =	vst v63  }
0x14f: {  	s19 =	sadd.s32 $0x6C80, s15;
	s20 =	sadd.s32 $0x120000, s13  }
0x150: {  	[hbm4b:s20+s31] =	stream.strided.scatter [tilespmem:s19], [sflag:s12], $0x400, s1, s31, $0x38;
	[tilespmem:$0x16880] =	vst v63  }
0x151: {  	s22 =	sadd.s32 $0x7080, s15;
	s23 =	sadd.s32 $0x80, s20  }
0x152: {  	[hbm4b:s23+s31] =	stream.strided.scatter [tilespmem:s22], [sflag:s12], $0x400, s1, s31, $0x38;
	[tilespmem:$0x16880] =	vst v63  }
0x153: {  	s18 =	sadd.s32 $0x7480, s15;
	s17 =	sadd.s32 $0x100, s20  }
0x154: {  	[hbm4b:s17+s31] =	stream.strided.scatter [tilespmem:s18], [sflag:s12], $0x400, s1, s31, $0x38;
	[tilespmem:$0x16880] =	vst v63  }
0x155: {  	s19 =	sadd.s32 $0x7880, s15;
	s20 =	sadd.s32 $0x180000, s13  }
0x156: {  	[hbm4b:s20+s31] =	stream.strided.scatter [tilespmem:s19], [sflag:s12], $0x400, s1, s31, $0x38;
	[tilespmem:$0x16880] =	vst v63  }
0x157: {  	s22 =	sadd.s32 $0x7C80, s15;
	s23 =	sadd.s32 $0x80, s20  }
0x158: {  	[hbm4b:s23+s31] =	stream.strided.scatter [tilespmem:s22], [sflag:s12], $0x400, s1, s31, $0x38;
	[tilespmem:$0x16880] =	vst v63  }
0x159: {  	s18 =	sadd.s32 $0x8080, s15;
	s17 =	sadd.s32 $0x100, s20  }
0x15a: {  	[hbm4b:s17+s31] =	stream.strided.scatter [tilespmem:s18], [sflag:s12], $0x400, s1, s31, $0x38;
	[tilespmem:$0x16880] =	vst v63  }
0x15b: {  	s19 =	sadd.s32 $0x8480, s15;
	s20 =	sadd.s32 $0x1E0000, s13  }
0x15c: {  	[hbm4b:s20+s31] =	stream.strided.scatter [tilespmem:s19], [sflag:s12], $0x400, s1, s31, $0x38;
	[tilespmem:$0x16880] =	vst v63  }
0x15d: {  	s22 =	sadd.s32 $0x8880, s15;
	s23 =	sadd.s32 $0x80, s20  }
0x15e: {  	[hbm4b:s23+s31] =	stream.strided.scatter [tilespmem:s22], [sflag:s12], $0x400, s1, s31, $0x38;
	[tilespmem:$0x16880] =	vst v63  }
0x15f: {  	s18 =	sadd.s32 $0x8C80, s15;
	s17 =	sadd.s32 $0x100, s20  }
0x160: {  	[hbm4b:s17+s31] =	stream.strided.scatter [tilespmem:s18], [sflag:s12], $0x400, s1, s31, $0x38;
	[tilespmem:$0x16880] =	vst v63  }
0x161: {  	s19 =	sadd.s32 $0x9080, s15;
	s20 =	sadd.s32 $0x240000, s13  }
0x162: {  	[hbm4b:s20+s31] =	stream.strided.scatter [tilespmem:s19], [sflag:s12], $0x400, s1, s31, $0x38;
	[tilespmem:$0x16880] =	vst v63  }
0x163: {  	s22 =	sadd.s32 $0x9480, s15;
	s23 =	sadd.s32 $0x80, s20  }
0x164: {  	[hbm4b:s23+s31] =	stream.strided.scatter [tilespmem:s22], [sflag:s12], $0x400, s1, s31, $0x38;
	[tilespmem:$0x16880] =	vst v63  }
0x165: {  	s18 =	sadd.s32 $0x9880, s15;
	s17 =	sadd.s32 $0x100, s20  }
0x166: {  	[hbm4b:s17+s31] =	stream.strided.scatter [tilespmem:s18], [sflag:s12], $0x400, s1, s31, $0x38;
	[tilespmem:$0x16880] =	vst v63  }
0x167: {  	p0 =	sne.s32 s14, $0x20;
	s13 =	sadd.s32 $0x2A0000, s13;
	s19 =	sadd.s32 $0x9C80, s15  }
0x168: {  	[hbm4b:s13+s31] =	stream.strided.scatter [tilespmem:s19], [sflag:s12], $0x400, s1, s31, $0x38;
	[tilespmem:$0x16880] =	vst v63  }
.Ltmp3:
0x169: {  	s20 =	sadd.s32 $0xA080, s15;
	s22 =	sadd.s32 $0x80, s13;
	(pc) =	sbr.rel @p0 .LBB2_4-.Ltmp3, $4  }
0x16a: {  	[hbm4b:s22+s31] =	stream.strided.scatter [tilespmem:s20], [sflag:s12], $0x400, s1, s31, $0x38;
	[tilespmem:$0x16880] =	vst v63  }
0x16b: {  	s23 =	sadd.s32 $0xA480, s15;
	s13 =	sadd.s32 $0x100, s13  }
0x16c: {  	[hbm4b:s13+s31] =	stream.strided.scatter [tilespmem:s23], [sflag:s12], $0x400, s1, s31, $0x38;
	[tilespmem:$0x16880] =	vst v63  }
0x16d: {  	s21 =	sadd.s32 $0x40, s21;
	s13 =	smov.u32 s14  }
0x16e: {  	s10 =	sadd.s32 $0x1, s10  }
0x16f: {  	_ =	swait.ge [sflag:s0], $0x6000;
	p0 =	sne.s32 s10, s9  }
.Ltmp4:
0x170: {  	[sflag:s0] =	ssyncset.done $0x0;
	(pc) =	sbr.rel @p0 .LBB2_1-.Ltmp4, $4  }
0x171: {  	[sflag:s0] =	ssyncadd.s32 $0xFFFFA000  }
0x172: {  	_ =	swait.ge [sflag:s30], $0x6000  }
0x173: {  	[sflag:s30] =	ssyncset.done $0x0  }
0x174: {  	[sflag:s30] =	ssyncadd.s32 $0xFFFFA000  }
0x175: {  	_ =	sfence.sel $0x180000  }
0x176: {  	[bflag:$0x0] =	sbarrier.arrive $0xFFFF  }
0x177: {  	_ =	strace $0x90000047  }
0x178: {  	s0 =	stileid.u32;
	[bflag:$0x2] =	sbarrier.arrive $0xFFFF  }
0x179: {  	p0 =	sne.s32 s0, $0x0;
	s0 =	rddreg [dreg:$0x3]  }
0x17a: {  	s0 =	sadd.s32 @!p0 $0x100000, s0  }
0x17b: {  	[sflag:s0] =	ssyncadd.tile.s32 @!p0 $0x1;
	_ =	shalt  }
.Lfunc_end2:
_tile_overlayer_lowered:
.L_overlay_start_2:
0x17c: {  	(tag) =	ssettag $0x2  }
0x17d: {  	s0 =	rddreg [dreg:$0x0];
	s2 =	stileid.u32  }
0x17e: {  	s1 =	rddreg [dreg:$0x1];
	p0 =	sne.s32 s2, $0x0  }
0x17f: {  	s3 =	rddreg [dreg:$0x2];
	[bflag:$0x3] =	sbarrier.arrive $0xFFFF;
	s2 =	simm.s32 @!p0 $0x1C04  }
0x180: {  	[timem:s3], [sflag:s2] =	dma.local @!p0 [hbm:s0], s1  }
0x181: {  	s0 =	simm.s32 @!p0 $0x4  }
0x182: {  	_ =	swait.ge @!p0 [sflag:s0], s1  }
0x183: {  	s1 =	ssub.s32 @!p0 $0x0, s1;
	[sflag:s0] =	ssyncset.done @!p0 $0x0  }
0x184: {  	[sflag:s0] =	ssyncadd.s32 @!p0 s1  }
0x185: {  	[bflag:$0x3] =	sbarrier.arrive $0xFFFF  }
0x186: {  	_ =	shalt  }

</sc_bundles>
